<compile_context>
chip_gen: v7x
topology: tpu7x:2x2x1
jax: 0.10.2.dev20260603
libtpu: 0.0.44.dev20260713+nightly
codegen_flags: <defaults>
</compile_context>

<pallas_src>
import functools

import jax
import jax.numpy as jnp
from jax import lax
from jax.experimental import pallas as pl
from jax.experimental.pallas import tpu as pltpu
from jax.experimental.pallas import tpu_sc as plsc

_NBUF = 8

_info = plsc.get_sparse_core_info()
_NC = _info.num_cores
_NS = _info.num_subcores
_NW = _NC * _NS


@functools.partial(jax.jit, static_argnames=("dim",))
def _gather(idx, table, *, dim):
    n_b, n_s = idx.shape
    b_per_w = n_b // _NW
    mesh = plsc.VectorSubcoreMesh(core_axis_name="c", subcore_axis_name="s")

    @functools.partial(
        pl.kernel,
        out_type=jax.ShapeDtypeStruct((n_b, n_s, dim), jnp.float32),
        mesh=mesh,
        scratch_types=[
            pltpu.VMEM((b_per_w, n_s), jnp.int32),
            pltpu.VMEM((_NBUF, n_s, dim), jnp.float32),
        ]
        + [pltpu.SemaphoreType.DMA] * _NBUF,
        compiler_params=pltpu.CompilerParams(use_tc_tiling_on_sc=False),
    )
    def k(idx_hbm, table_hbm, out_hbm, idx_v, rows_v, *sems):
        wid = lax.axis_index("s") * _NC + lax.axis_index("c")
        b0 = wid * b_per_w
        pltpu.sync_copy(idx_hbm.at[pl.ds(b0, b_per_w)], idx_v)

        def fire(buf, j):
            pltpu.async_copy(table_hbm.at[idx_v.at[j]], rows_v.at[buf], sems[buf])

        def drain(buf):
            pltpu.make_async_copy(
                table_hbm.at[idx_v.at[0]], rows_v.at[buf], sems[buf]
            ).wait()

        for b in range(_NBUF):
            fire(b, b)

        @pl.loop(0, b_per_w, step=_NBUF)
        def row_body(j0):
            for b in range(_NBUF):
                j = j0 + b
                drain(b)
                pltpu.sync_copy(rows_v.at[b], out_hbm.at[b0 + j])

                @pl.when(j + _NBUF < b_per_w)
                def _():
                    fire(b, j + _NBUF)

    return k(idx, table)


def kernel(indices, embeddings):
    return _gather(indices, embeddings, dim=embeddings.shape[1])

# --- scband reference (transcript-rebuilt; emitter-appended) ---
"""Pipeline reference for scband-euclidean-embedding-74096775791110 (READ-ONLY COPY).

The authoritative reference and input builder live on the scoring server;
editing this copy changes nothing except your own understanding.
"""

import jax, jax.numpy as jnp
import numpy as np

N_NODES = 1000000
DIM = 64

def setup_inputs(seed: int = 0) -> dict:
    key = jax.random.key(seed)
    k1, k2 = jax.random.split(key)
    indices = jax.random.randint(k1, (16384, 50), 0, N_NODES, dtype=jnp.int64 if jax.config.jax_enable_x64 else jnp.int32).astype(jnp.int32)
    embeddings = jax.random.normal(k2, (N_NODES, DIM), dtype=jnp.float32) * 0.01
    return {"indices": indices, "embeddings": embeddings}

def reference(indices, embeddings):
    # Faithful translation of EuclideanEmbedding.forward: self.embeddings[indices]
    return jnp.take(embeddings, indices, axis=0)

if __name__ == "__main__":
    import jax
    _d = setup_inputs()
    print(jax.jit(kernel)(*tuple(_d.values())))

</pallas_src>

<mosaic_0001>
#map = affine_map<(d0, d1) -> (0, 0)>
#map1 = affine_map<(d0, d1) -> (0, 0, 0)>
module attributes {stable_mosaic.version = 14 : i64} {
  func.func @k(%arg0: i32, %arg1: i32, %arg2: memref<16384x50xi32, #tpu.memory_space<hbm>>, %arg3: memref<1000000x64xf32, #tpu.memory_space<hbm>>, %arg4: memref<16384x50x64xf32, #tpu.memory_space<hbm>>, %arg5: memref<512x50xi32, #tpu.memory_space<vmem>>, %arg6: memref<8x50x64xf32, #tpu.memory_space<vmem>>, %arg7: memref<!tpu.dma_semaphore, #tpu.memory_space<semaphore_mem>>, %arg8: memref<!tpu.dma_semaphore, #tpu.memory_space<semaphore_mem>>, %arg9: memref<!tpu.dma_semaphore, #tpu.memory_space<semaphore_mem>>, %arg10: memref<!tpu.dma_semaphore, #tpu.memory_space<semaphore_mem>>, %arg11: memref<!tpu.dma_semaphore, #tpu.memory_space<semaphore_mem>>, %arg12: memref<!tpu.dma_semaphore, #tpu.memory_space<semaphore_mem>>, %arg13: memref<!tpu.dma_semaphore, #tpu.memory_space<semaphore_mem>>, %arg14: memref<!tpu.dma_semaphore, #tpu.memory_space<semaphore_mem>>) attributes {dimension_semantics = [#tpu.dimension_semantics<core_parallel>, #tpu.dimension_semantics<subcore_parallel>], iteration_bounds = array<i64: 2, 16>, scalar_prefetch = 0 : i64, scratch_operands = 10 : i64, tpu.core_type = #tpu.core_type<sc_vector_subcore>, window_params = [{transform_indices = #map}, {transform_indices = #map}, {transform_indices = #map1}]} {
    %mul3A = arith.constant 2 : i32
    %mul3A_0 = arith.muli %arg1, %mul3A : i32
    %add3A = arith.addi %mul3A_0, %arg0 : i32
    %mul3A_1 = arith.constant 512 : i32
    %mul3A_2 = arith.muli %add3A, %mul3A_1 : i32
    "tpu.region"() ({
      %run_scoped3A = tpu.sem_alloc : memref<!tpu.dma_semaphore, #tpu.memory_space<semaphore_mem>>
      %dma_start3A_102 = arith.constant 0 : i32
      %dma_start3A_103 = tpu.memref_slice %arg2[%mul3A_2, %dma_start3A_102] : memref<16384x50xi32, #tpu.memory_space<hbm>> -> memref<512x50xi32, #tpu.memory_space<hbm>>
      %dma_start3A_104 = arith.constant 0 : i32
      %dma_start3A_105 = tpu.memref_slice %arg2[%mul3A_2, %dma_start3A_104] : memref<16384x50xi32, #tpu.memory_space<hbm>> -> memref<512x50xi32, #tpu.memory_space<hbm>>
      tpu.enqueue_dma source(%dma_start3A_105 : memref<512x50xi32, #tpu.memory_space<hbm>>) target(%arg5 : memref<512x50xi32, #tpu.memory_space<vmem>>) target_semaphore(%run_scoped3A : memref<!tpu.dma_semaphore, #tpu.memory_space<semaphore_mem>>)
      %dma_wait3A = arith.constant 0 : i32
      %dma_wait3A_106 = tpu.memref_slice %arg2[%mul3A_2, %dma_wait3A] : memref<16384x50xi32, #tpu.memory_space<hbm>> -> memref<512x50xi32, #tpu.memory_space<hbm>>
      %dma_wait3A_107 = arith.constant 0 : i32
      %dma_wait3A_108 = tpu.memref_slice %arg2[%mul3A_2, %dma_wait3A_107] : memref<16384x50xi32, #tpu.memory_space<hbm>> -> memref<512x50xi32, #tpu.memory_space<hbm>>
      tpu.wait_dma2 semaphore(%run_scoped3A : memref<!tpu.dma_semaphore, #tpu.memory_space<semaphore_mem>>) src(%dma_wait3A_108 : memref<512x50xi32, #tpu.memory_space<hbm>>) dst(%arg5 : memref<512x50xi32, #tpu.memory_space<vmem>>)
      tpu.yield
    }) : () -> ()
    %dma_start3A = arith.constant 0 : i32
    %dma_start3A_3 = arith.constant 0 : i32
    %dma_start3A_4 = arith.constant 0 : i32
    %dma_start3A_5 = arith.constant 0 : i32
    %dma_start3A_6 = tpu.memref_slice %arg6[%dma_start3A_3, %dma_start3A_4, %dma_start3A_5] : memref<8x50x64xf32, #tpu.memory_space<vmem>> -> memref<1x50x64xf32, #tpu.memory_space<vmem>>
    %dma_start3A_7 = tpu.memref_squeeze %dma_start3A_6 : memref<1x50x64xf32, #tpu.memory_space<vmem>> -> memref<50x64xf32, #tpu.memory_space<vmem>>
    %dma_start3A_8 = arith.constant 0 : i32
    %dma_start3A_9 = tpu.memref_slice %arg5[%dma_start3A, %dma_start3A_8] : memref<512x50xi32, #tpu.memory_space<vmem>> -> memref<1x50xi32, #tpu.memory_space<vmem>>
    %dma_start3A_10 = tpu.memref_squeeze %dma_start3A_9 : memref<1x50xi32, #tpu.memory_space<vmem>> -> memref<50xi32, #tpu.memory_space<vmem>>
    %dma_start3A_11 = arith.constant 0 : i32
    %dma_start3A_12 = arith.constant 0 : i32
    %dma_start3A_13 = tpu.memref_slice %arg3[%dma_start3A_11, %dma_start3A_12] : memref<1000000x64xf32, #tpu.memory_space<hbm>> -> memref<1000000x64xf32, #tpu.memory_space<hbm>>
    tpu.enqueue_indirect_dma source(%dma_start3A_13 : memref<1000000x64xf32, #tpu.memory_space<hbm>>) target(%dma_start3A_7 : memref<50x64xf32, #tpu.memory_space<vmem>>) offsets(%dma_start3A_10 : memref<50xi32, #tpu.memory_space<vmem>>) semaphore(%arg7 : memref<!tpu.dma_semaphore, #tpu.memory_space<semaphore_mem>>)
    %dma_start3A_14 = arith.constant 1 : i32
    %dma_start3A_15 = arith.constant 1 : i32
    %dma_start3A_16 = arith.constant 0 : i32
    %dma_start3A_17 = arith.constant 0 : i32
    %dma_start3A_18 = tpu.memref_slice %arg6[%dma_start3A_15, %dma_start3A_16, %dma_start3A_17] : memref<8x50x64xf32, #tpu.memory_space<vmem>> -> memref<1x50x64xf32, #tpu.memory_space<vmem>>
    %dma_start3A_19 = tpu.memref_squeeze %dma_start3A_18 : memref<1x50x64xf32, #tpu.memory_space<vmem>> -> memref<50x64xf32, #tpu.memory_space<vmem>>
    %dma_start3A_20 = arith.constant 0 : i32
    %dma_start3A_21 = tpu.memref_slice %arg5[%dma_start3A_14, %dma_start3A_20] : memref<512x50xi32, #tpu.memory_space<vmem>> -> memref<1x50xi32, #tpu.memory_space<vmem>>
    %dma_start3A_22 = tpu.memref_squeeze %dma_start3A_21 : memref<1x50xi32, #tpu.memory_space<vmem>> -> memref<50xi32, #tpu.memory_space<vmem>>
    %dma_start3A_23 = arith.constant 0 : i32
    %dma_start3A_24 = arith.constant 0 : i32
    %dma_start3A_25 = tpu.memref_slice %arg3[%dma_start3A_23, %dma_start3A_24] : memref<1000000x64xf32, #tpu.memory_space<hbm>> -> memref<1000000x64xf32, #tpu.memory_space<hbm>>
    tpu.enqueue_indirect_dma source(%dma_start3A_25 : memref<1000000x64xf32, #tpu.memory_space<hbm>>) target(%dma_start3A_19 : memref<50x64xf32, #tpu.memory_space<vmem>>) offsets(%dma_start3A_22 : memref<50xi32, #tpu.memory_space<vmem>>) semaphore(%arg8 : memref<!tpu.dma_semaphore, #tpu.memory_space<semaphore_mem>>)
    %dma_start3A_26 = arith.constant 2 : i32
    %dma_start3A_27 = arith.constant 2 : i32
    %dma_start3A_28 = arith.constant 0 : i32
    %dma_start3A_29 = arith.constant 0 : i32
    %dma_start3A_30 = tpu.memref_slice %arg6[%dma_start3A_27, %dma_start3A_28, %dma_start3A_29] : memref<8x50x64xf32, #tpu.memory_space<vmem>> -> memref<1x50x64xf32, #tpu.memory_space<vmem>>
    %dma_start3A_31 = tpu.memref_squeeze %dma_start3A_30 : memref<1x50x64xf32, #tpu.memory_space<vmem>> -> memref<50x64xf32, #tpu.memory_space<vmem>>
    %dma_start3A_32 = arith.constant 0 : i32
    %dma_start3A_33 = tpu.memref_slice %arg5[%dma_start3A_26, %dma_start3A_32] : memref<512x50xi32, #tpu.memory_space<vmem>> -> memref<1x50xi32, #tpu.memory_space<vmem>>
    %dma_start3A_34 = tpu.memref_squeeze %dma_start3A_33 : memref<1x50xi32, #tpu.memory_space<vmem>> -> memref<50xi32, #tpu.memory_space<vmem>>
    %dma_start3A_35 = arith.constant 0 : i32
    %dma_start3A_36 = arith.constant 0 : i32
    %dma_start3A_37 = tpu.memref_slice %arg3[%dma_start3A_35, %dma_start3A_36] : memref<1000000x64xf32, #tpu.memory_space<hbm>> -> memref<1000000x64xf32, #tpu.memory_space<hbm>>
    tpu.enqueue_indirect_dma source(%dma_start3A_37 : memref<1000000x64xf32, #tpu.memory_space<hbm>>) target(%dma_start3A_31 : memref<50x64xf32, #tpu.memory_space<vmem>>) offsets(%dma_start3A_34 : memref<50xi32, #tpu.memory_space<vmem>>) semaphore(%arg9 : memref<!tpu.dma_semaphore, #tpu.memory_space<semaphore_mem>>)
    %dma_start3A_38 = arith.constant 3 : i32
    %dma_start3A_39 = arith.constant 3 : i32
    %dma_start3A_40 = arith.constant 0 : i32
    %dma_start3A_41 = arith.constant 0 : i32
    %dma_start3A_42 = tpu.memref_slice %arg6[%dma_start3A_39, %dma_start3A_40, %dma_start3A_41] : memref<8x50x64xf32, #tpu.memory_space<vmem>> -> memref<1x50x64xf32, #tpu.memory_space<vmem>>
    %dma_start3A_43 = tpu.memref_squeeze %dma_start3A_42 : memref<1x50x64xf32, #tpu.memory_space<vmem>> -> memref<50x64xf32, #tpu.memory_space<vmem>>
    %dma_start3A_44 = arith.constant 0 : i32
    %dma_start3A_45 = tpu.memref_slice %arg5[%dma_start3A_38, %dma_start3A_44] : memref<512x50xi32, #tpu.memory_space<vmem>> -> memref<1x50xi32, #tpu.memory_space<vmem>>
    %dma_start3A_46 = tpu.memref_squeeze %dma_start3A_45 : memref<1x50xi32, #tpu.memory_space<vmem>> -> memref<50xi32, #tpu.memory_space<vmem>>
    %dma_start3A_47 = arith.constant 0 : i32
    %dma_start3A_48 = arith.constant 0 : i32
    %dma_start3A_49 = tpu.memref_slice %arg3[%dma_start3A_47, %dma_start3A_48] : memref<1000000x64xf32, #tpu.memory_space<hbm>> -> memref<1000000x64xf32, #tpu.memory_space<hbm>>
    tpu.enqueue_indirect_dma source(%dma_start3A_49 : memref<1000000x64xf32, #tpu.memory_space<hbm>>) target(%dma_start3A_43 : memref<50x64xf32, #tpu.memory_space<vmem>>) offsets(%dma_start3A_46 : memref<50xi32, #tpu.memory_space<vmem>>) semaphore(%arg10 : memref<!tpu.dma_semaphore, #tpu.memory_space<semaphore_mem>>)
    %dma_start3A_50 = arith.constant 4 : i32
    %dma_start3A_51 = arith.constant 4 : i32
    %dma_start3A_52 = arith.constant 0 : i32
    %dma_start3A_53 = arith.constant 0 : i32
    %dma_start3A_54 = tpu.memref_slice %arg6[%dma_start3A_51, %dma_start3A_52, %dma_start3A_53] : memref<8x50x64xf32, #tpu.memory_space<vmem>> -> memref<1x50x64xf32, #tpu.memory_space<vmem>>
    %dma_start3A_55 = tpu.memref_squeeze %dma_start3A_54 : memref<1x50x64xf32, #tpu.memory_space<vmem>> -> memref<50x64xf32, #tpu.memory_space<vmem>>
    %dma_start3A_56 = arith.constant 0 : i32
    %dma_start3A_57 = tpu.memref_slice %arg5[%dma_start3A_50, %dma_start3A_56] : memref<512x50xi32, #tpu.memory_space<vmem>> -> memref<1x50xi32, #tpu.memory_space<vmem>>
    %dma_start3A_58 = tpu.memref_squeeze %dma_start3A_57 : memref<1x50xi32, #tpu.memory_space<vmem>> -> memref<50xi32, #tpu.memory_space<vmem>>
    %dma_start3A_59 = arith.constant 0 : i32
    %dma_start3A_60 = arith.constant 0 : i32
    %dma_start3A_61 = tpu.memref_slice %arg3[%dma_start3A_59, %dma_start3A_60] : memref<1000000x64xf32, #tpu.memory_space<hbm>> -> memref<1000000x64xf32, #tpu.memory_space<hbm>>
    tpu.enqueue_indirect_dma source(%dma_start3A_61 : memref<1000000x64xf32, #tpu.memory_space<hbm>>) target(%dma_start3A_55 : memref<50x64xf32, #tpu.memory_space<vmem>>) offsets(%dma_start3A_58 : memref<50xi32, #tpu.memory_space<vmem>>) semaphore(%arg11 : memref<!tpu.dma_semaphore, #tpu.memory_space<semaphore_mem>>)
    %dma_start3A_62 = arith.constant 5 : i32
    %dma_start3A_63 = arith.constant 5 : i32
    %dma_start3A_64 = arith.constant 0 : i32
    %dma_start3A_65 = arith.constant 0 : i32
    %dma_start3A_66 = tpu.memref_slice %arg6[%dma_start3A_63, %dma_start3A_64, %dma_start3A_65] : memref<8x50x64xf32, #tpu.memory_space<vmem>> -> memref<1x50x64xf32, #tpu.memory_space<vmem>>
    %dma_start3A_67 = tpu.memref_squeeze %dma_start3A_66 : memref<1x50x64xf32, #tpu.memory_space<vmem>> -> memref<50x64xf32, #tpu.memory_space<vmem>>
    %dma_start3A_68 = arith.constant 0 : i32
    %dma_start3A_69 = tpu.memref_slice %arg5[%dma_start3A_62, %dma_start3A_68] : memref<512x50xi32, #tpu.memory_space<vmem>> -> memref<1x50xi32, #tpu.memory_space<vmem>>
    %dma_start3A_70 = tpu.memref_squeeze %dma_start3A_69 : memref<1x50xi32, #tpu.memory_space<vmem>> -> memref<50xi32, #tpu.memory_space<vmem>>
    %dma_start3A_71 = arith.constant 0 : i32
    %dma_start3A_72 = arith.constant 0 : i32
    %dma_start3A_73 = tpu.memref_slice %arg3[%dma_start3A_71, %dma_start3A_72] : memref<1000000x64xf32, #tpu.memory_space<hbm>> -> memref<1000000x64xf32, #tpu.memory_space<hbm>>
    tpu.enqueue_indirect_dma source(%dma_start3A_73 : memref<1000000x64xf32, #tpu.memory_space<hbm>>) target(%dma_start3A_67 : memref<50x64xf32, #tpu.memory_space<vmem>>) offsets(%dma_start3A_70 : memref<50xi32, #tpu.memory_space<vmem>>) semaphore(%arg12 : memref<!tpu.dma_semaphore, #tpu.memory_space<semaphore_mem>>)
    %dma_start3A_74 = arith.constant 6 : i32
    %dma_start3A_75 = arith.constant 6 : i32
    %dma_start3A_76 = arith.constant 0 : i32
    %dma_start3A_77 = arith.constant 0 : i32
    %dma_start3A_78 = tpu.memref_slice %arg6[%dma_start3A_75, %dma_start3A_76, %dma_start3A_77] : memref<8x50x64xf32, #tpu.memory_space<vmem>> -> memref<1x50x64xf32, #tpu.memory_space<vmem>>
    %dma_start3A_79 = tpu.memref_squeeze %dma_start3A_78 : memref<1x50x64xf32, #tpu.memory_space<vmem>> -> memref<50x64xf32, #tpu.memory_space<vmem>>
    %dma_start3A_80 = arith.constant 0 : i32
    %dma_start3A_81 = tpu.memref_slice %arg5[%dma_start3A_74, %dma_start3A_80] : memref<512x50xi32, #tpu.memory_space<vmem>> -> memref<1x50xi32, #tpu.memory_space<vmem>>
    %dma_start3A_82 = tpu.memref_squeeze %dma_start3A_81 : memref<1x50xi32, #tpu.memory_space<vmem>> -> memref<50xi32, #tpu.memory_space<vmem>>
    %dma_start3A_83 = arith.constant 0 : i32
    %dma_start3A_84 = arith.constant 0 : i32
    %dma_start3A_85 = tpu.memref_slice %arg3[%dma_start3A_83, %dma_start3A_84] : memref<1000000x64xf32, #tpu.memory_space<hbm>> -> memref<1000000x64xf32, #tpu.memory_space<hbm>>
    tpu.enqueue_indirect_dma source(%dma_start3A_85 : memref<1000000x64xf32, #tpu.memory_space<hbm>>) target(%dma_start3A_79 : memref<50x64xf32, #tpu.memory_space<vmem>>) offsets(%dma_start3A_82 : memref<50xi32, #tpu.memory_space<vmem>>) semaphore(%arg13 : memref<!tpu.dma_semaphore, #tpu.memory_space<semaphore_mem>>)
    %dma_start3A_86 = arith.constant 7 : i32
    %dma_start3A_87 = arith.constant 7 : i32
    %dma_start3A_88 = arith.constant 0 : i32
    %dma_start3A_89 = arith.constant 0 : i32
    %dma_start3A_90 = tpu.memref_slice %arg6[%dma_start3A_87, %dma_start3A_88, %dma_start3A_89] : memref<8x50x64xf32, #tpu.memory_space<vmem>> -> memref<1x50x64xf32, #tpu.memory_space<vmem>>
    %dma_start3A_91 = tpu.memref_squeeze %dma_start3A_90 : memref<1x50x64xf32, #tpu.memory_space<vmem>> -> memref<50x64xf32, #tpu.memory_space<vmem>>
    %dma_start3A_92 = arith.constant 0 : i32
    %dma_start3A_93 = tpu.memref_slice %arg5[%dma_start3A_86, %dma_start3A_92] : memref<512x50xi32, #tpu.memory_space<vmem>> -> memref<1x50xi32, #tpu.memory_space<vmem>>
    %dma_start3A_94 = tpu.memref_squeeze %dma_start3A_93 : memref<1x50xi32, #tpu.memory_space<vmem>> -> memref<50xi32, #tpu.memory_space<vmem>>
    %dma_start3A_95 = arith.constant 0 : i32
    %dma_start3A_96 = arith.constant 0 : i32
    %dma_start3A_97 = tpu.memref_slice %arg3[%dma_start3A_95, %dma_start3A_96] : memref<1000000x64xf32, #tpu.memory_space<hbm>> -> memref<1000000x64xf32, #tpu.memory_space<hbm>>
    tpu.enqueue_indirect_dma source(%dma_start3A_97 : memref<1000000x64xf32, #tpu.memory_space<hbm>>) target(%dma_start3A_91 : memref<50x64xf32, #tpu.memory_space<vmem>>) offsets(%dma_start3A_94 : memref<50xi32, #tpu.memory_space<vmem>>) semaphore(%arg14 : memref<!tpu.dma_semaphore, #tpu.memory_space<semaphore_mem>>)
    %scan3A = arith.constant 0 : i32
    %scan3A_98 = arith.constant 64 : i32
    %scan3A_99 = arith.addi %scan3A, %scan3A_98 : i32
    %scan3A_100 = arith.constant 1 : i32
    scf.for %scan3A_102 = %scan3A to %scan3A_99 step %scan3A_100  : i32 {
      %mul3A_103 = arith.constant 8 : i32
      %mul3A_104 = arith.muli %scan3A_102, %mul3A_103 : i32
      %add3A_105 = arith.constant 0 : i32
      %add3A_106 = arith.addi %add3A_105, %mul3A_104 : i32
      %add3A_107 = arith.constant 0 : i32
      %add3A_108 = arith.addi %add3A_106, %add3A_107 : i32
      %dma_wait3A = arith.constant 0 : i32
      %dma_wait3A_109 = arith.constant 0 : i32
      %dma_wait3A_110 = arith.constant 0 : i32
      %dma_wait3A_111 = arith.constant 0 : i32
      %dma_wait3A_112 = tpu.memref_slice %arg6[%dma_wait3A_109, %dma_wait3A_110, %dma_wait3A_111] : memref<8x50x64xf32, #tpu.memory_space<vmem>> -> memref<1x50x64xf32, #tpu.memory_space<vmem>>
      %dma_wait3A_113 = tpu.memref_squeeze %dma_wait3A_112 : memref<1x50x64xf32, #tpu.memory_space<vmem>> -> memref<50x64xf32, #tpu.memory_space<vmem>>
      %dma_wait3A_114 = arith.constant 0 : i32
      %dma_wait3A_115 = tpu.memref_slice %arg5[%dma_wait3A, %dma_wait3A_114] : memref<512x50xi32, #tpu.memory_space<vmem>> -> memref<1x50xi32, #tpu.memory_space<vmem>>
      %dma_wait3A_116 = tpu.memref_squeeze %dma_wait3A_115 : memref<1x50xi32, #tpu.memory_space<vmem>> -> memref<50xi32, #tpu.memory_space<vmem>>
      %dma_wait3A_117 = arith.constant 0 : i32
      %dma_wait3A_118 = arith.constant 0 : i32
      %dma_wait3A_119 = tpu.memref_slice %arg3[%dma_wait3A_117, %dma_wait3A_118] : memref<1000000x64xf32, #tpu.memory_space<hbm>> -> memref<1000000x64xf32, #tpu.memory_space<hbm>>
      tpu.wait_indirect_dma semaphore(%arg7 : memref<!tpu.dma_semaphore, #tpu.memory_space<semaphore_mem>>) src(%dma_wait3A_119 : memref<1000000x64xf32, #tpu.memory_space<hbm>>) dst(%dma_wait3A_113 : memref<50x64xf32, #tpu.memory_space<vmem>>)
      %add3A_120 = arith.addi %mul3A_2, %add3A_108 : i32
      %run_scoped3A = arith.constant 0 : i32
      "tpu.region"() ({
        %run_scoped3A_286 = tpu.sem_alloc : memref<!tpu.dma_semaphore, #tpu.memory_space<semaphore_mem>>
        %dma_start3A_287 = arith.constant 0 : i32
        %dma_start3A_288 = arith.constant 0 : i32
        %dma_start3A_289 = tpu.memref_slice %arg6[%run_scoped3A, %dma_start3A_287, %dma_start3A_288] : memref<8x50x64xf32, #tpu.memory_space<vmem>> -> memref<1x50x64xf32, #tpu.memory_space<vmem>>
        %dma_start3A_290 = tpu.memref_squeeze %dma_start3A_289 : memref<1x50x64xf32, #tpu.memory_space<vmem>> -> memref<50x64xf32, #tpu.memory_space<vmem>>
        %dma_start3A_291 = arith.constant 0 : i32
        %dma_start3A_292 = arith.constant 0 : i32
        %dma_start3A_293 = tpu.memref_slice %arg4[%add3A_120, %dma_start3A_291, %dma_start3A_292] : memref<16384x50x64xf32, #tpu.memory_space<hbm>> -> memref<1x50x64xf32, #tpu.memory_space<hbm>>
        %dma_start3A_294 = tpu.memref_squeeze %dma_start3A_293 : memref<1x50x64xf32, #tpu.memory_space<hbm>> -> memref<50x64xf32, #tpu.memory_space<hbm>>
        %dma_start3A_295 = arith.constant 0 : i32
        %dma_start3A_296 = arith.constant 0 : i32
        %dma_start3A_297 = tpu.memref_slice %arg4[%add3A_120, %dma_start3A_295, %dma_start3A_296] : memref<16384x50x64xf32, #tpu.memory_space<hbm>> -> memref<1x50x64xf32, #tpu.memory_space<hbm>>
        %dma_start3A_298 = tpu.memref_squeeze %dma_start3A_297 : memref<1x50x64xf32, #tpu.memory_space<hbm>> -> memref<50x64xf32, #tpu.memory_space<hbm>>
        %dma_start3A_299 = arith.constant 0 : i32
        %dma_start3A_300 = arith.constant 0 : i32
        %dma_start3A_301 = tpu.memref_slice %arg6[%run_scoped3A, %dma_start3A_299, %dma_start3A_300] : memref<8x50x64xf32, #tpu.memory_space<vmem>> -> memref<1x50x64xf32, #tpu.memory_space<vmem>>
        %dma_start3A_302 = tpu.memref_squeeze %dma_start3A_301 : memref<1x50x64xf32, #tpu.memory_space<vmem>> -> memref<50x64xf32, #tpu.memory_space<vmem>>
        tpu.enqueue_dma source(%dma_start3A_302 : memref<50x64xf32, #tpu.memory_space<vmem>>) target(%dma_start3A_298 : memref<50x64xf32, #tpu.memory_space<hbm>>) target_semaphore(%run_scoped3A_286 : memref<!tpu.dma_semaphore, #tpu.memory_space<semaphore_mem>>)
        %dma_wait3A_303 = arith.constant 0 : i32
        %dma_wait3A_304 = arith.constant 0 : i32
        %dma_wait3A_305 = tpu.memref_slice %arg6[%run_scoped3A, %dma_wait3A_303, %dma_wait3A_304] : memref<8x50x64xf32, #tpu.memory_space<vmem>> -> memref<1x50x64xf32, #tpu.memory_space<vmem>>
        %dma_wait3A_306 = tpu.memref_squeeze %dma_wait3A_305 : memref<1x50x64xf32, #tpu.memory_space<vmem>> -> memref<50x64xf32, #tpu.memory_space<vmem>>
        %dma_wait3A_307 = arith.constant 0 : i32
        %dma_wait3A_308 = arith.constant 0 : i32
        %dma_wait3A_309 = tpu.memref_slice %arg4[%add3A_120, %dma_wait3A_307, %dma_wait3A_308] : memref<16384x50x64xf32, #tpu.memory_space<hbm>> -> memref<1x50x64xf32, #tpu.memory_space<hbm>>
        %dma_wait3A_310 = tpu.memref_squeeze %dma_wait3A_309 : memref<1x50x64xf32, #tpu.memory_space<hbm>> -> memref<50x64xf32, #tpu.memory_space<hbm>>
        %dma_wait3A_311 = arith.constant 0 : i32
        %dma_wait3A_312 = arith.constant 0 : i32
        %dma_wait3A_313 = tpu.memref_slice %arg4[%add3A_120, %dma_wait3A_311, %dma_wait3A_312] : memref<16384x50x64xf32, #tpu.memory_space<hbm>> -> memref<1x50x64xf32, #tpu.memory_space<hbm>>
        %dma_wait3A_314 = tpu.memref_squeeze %dma_wait3A_313 : memref<1x50x64xf32, #tpu.memory_space<hbm>> -> memref<50x64xf32, #tpu.memory_space<hbm>>
        %dma_wait3A_315 = arith.constant 0 : i32
        %dma_wait3A_316 = arith.constant 0 : i32
        %dma_wait3A_317 = tpu.memref_slice %arg6[%run_scoped3A, %dma_wait3A_315, %dma_wait3A_316] : memref<8x50x64xf32, #tpu.memory_space<vmem>> -> memref<1x50x64xf32, #tpu.memory_space<vmem>>
        %dma_wait3A_318 = tpu.memref_squeeze %dma_wait3A_317 : memref<1x50x64xf32, #tpu.memory_space<vmem>> -> memref<50x64xf32, #tpu.memory_space<vmem>>
        tpu.wait_dma2 semaphore(%run_scoped3A_286 : memref<!tpu.dma_semaphore, #tpu.memory_space<semaphore_mem>>) src(%dma_wait3A_318 : memref<50x64xf32, #tpu.memory_space<vmem>>) dst(%dma_wait3A_314 : memref<50x64xf32, #tpu.memory_space<hbm>>)
        tpu.yield
      }) : () -> ()
      %add3A_121 = arith.constant 8 : i32
      %add3A_122 = arith.addi %add3A_108, %add3A_121 : i32
      %lt3A = arith.constant 512 : i32
      %lt3A_123 = arith.cmpi slt, %add3A_122, %lt3A : i32
      %convert_element_type3A = arith.extui %lt3A_123 : i1 to i32
      %cond3A = arith.constant 0 : i32
      %cond3A_124 = arith.cmpi ne, %convert_element_type3A, %cond3A : i32
      scf.if %cond3A_124 {
        %add3A_286 = arith.constant 8 : i32
        %add3A_287 = arith.addi %add3A_108, %add3A_286 : i32
        %dma_start3A_288 = arith.constant 0 : i32
        %dma_start3A_289 = arith.constant 0 : i32
        %dma_start3A_290 = arith.constant 0 : i32
        %dma_start3A_291 = tpu.memref_slice %arg6[%dma_start3A_288, %dma_start3A_289, %dma_start3A_290] : memref<8x50x64xf32, #tpu.memory_space<vmem>> -> memref<1x50x64xf32, #tpu.memory_space<vmem>>
        %dma_start3A_292 = tpu.memref_squeeze %dma_start3A_291 : memref<1x50x64xf32, #tpu.memory_space<vmem>> -> memref<50x64xf32, #tpu.memory_space<vmem>>
        %dma_start3A_293 = arith.constant 0 : i32
        %dma_start3A_294 = tpu.memref_slice %arg5[%add3A_287, %dma_start3A_293] : memref<512x50xi32, #tpu.memory_space<vmem>> -> memref<1x50xi32, #tpu.memory_space<vmem>>
        %dma_start3A_295 = tpu.memref_squeeze %dma_start3A_294 : memref<1x50xi32, #tpu.memory_space<vmem>> -> memref<50xi32, #tpu.memory_space<vmem>>
        %dma_start3A_296 = arith.constant 0 : i32
        %dma_start3A_297 = arith.constant 0 : i32
        %dma_start3A_298 = tpu.memref_slice %arg3[%dma_start3A_296, %dma_start3A_297] : memref<1000000x64xf32, #tpu.memory_space<hbm>> -> memref<1000000x64xf32, #tpu.memory_space<hbm>>
        tpu.enqueue_indirect_dma source(%dma_start3A_298 : memref<1000000x64xf32, #tpu.memory_space<hbm>>) target(%dma_start3A_292 : memref<50x64xf32, #tpu.memory_space<vmem>>) offsets(%dma_start3A_295 : memref<50xi32, #tpu.memory_space<vmem>>) semaphore(%arg7 : memref<!tpu.dma_semaphore, #tpu.memory_space<semaphore_mem>>)
      } else {
      }
      %add3A_125 = arith.constant 1 : i32
      %add3A_126 = arith.addi %add3A_106, %add3A_125 : i32
      %dma_wait3A_127 = arith.constant 0 : i32
      %dma_wait3A_128 = arith.constant 1 : i32
      %dma_wait3A_129 = arith.constant 0 : i32
      %dma_wait3A_130 = arith.constant 0 : i32
      %dma_wait3A_131 = tpu.memref_slice %arg6[%dma_wait3A_128, %dma_wait3A_129, %dma_wait3A_130] : memref<8x50x64xf32, #tpu.memory_space<vmem>> -> memref<1x50x64xf32, #tpu.memory_space<vmem>>
      %dma_wait3A_132 = tpu.memref_squeeze %dma_wait3A_131 : memref<1x50x64xf32, #tpu.memory_space<vmem>> -> memref<50x64xf32, #tpu.memory_space<vmem>>
      %dma_wait3A_133 = arith.constant 0 : i32
      %dma_wait3A_134 = tpu.memref_slice %arg5[%dma_wait3A_127, %dma_wait3A_133] : memref<512x50xi32, #tpu.memory_space<vmem>> -> memref<1x50xi32, #tpu.memory_space<vmem>>
      %dma_wait3A_135 = tpu.memref_squeeze %dma_wait3A_134 : memref<1x50xi32, #tpu.memory_space<vmem>> -> memref<50xi32, #tpu.memory_space<vmem>>
      %dma_wait3A_136 = arith.constant 0 : i32
      %dma_wait3A_137 = arith.constant 0 : i32
      %dma_wait3A_138 = tpu.memref_slice %arg3[%dma_wait3A_136, %dma_wait3A_137] : memref<1000000x64xf32, #tpu.memory_space<hbm>> -> memref<1000000x64xf32, #tpu.memory_space<hbm>>
      tpu.wait_indirect_dma semaphore(%arg8 : memref<!tpu.dma_semaphore, #tpu.memory_space<semaphore_mem>>) src(%dma_wait3A_138 : memref<1000000x64xf32, #tpu.memory_space<hbm>>) dst(%dma_wait3A_132 : memref<50x64xf32, #tpu.memory_space<vmem>>)
      %add3A_139 = arith.addi %mul3A_2, %add3A_126 : i32
      %run_scoped3A_140 = arith.constant 1 : i32
      "tpu.region"() ({
        %run_scoped3A_286 = tpu.sem_alloc : memref<!tpu.dma_semaphore, #tpu.memory_space<semaphore_mem>>
        %dma_start3A_287 = arith.constant 0 : i32
        %dma_start3A_288 = arith.constant 0 : i32
        %dma_start3A_289 = tpu.memref_slice %arg6[%run_scoped3A_140, %dma_start3A_287, %dma_start3A_288] : memref<8x50x64xf32, #tpu.memory_space<vmem>> -> memref<1x50x64xf32, #tpu.memory_space<vmem>>
        %dma_start3A_290 = tpu.memref_squeeze %dma_start3A_289 : memref<1x50x64xf32, #tpu.memory_space<vmem>> -> memref<50x64xf32, #tpu.memory_space<vmem>>
        %dma_start3A_291 = arith.constant 0 : i32
        %dma_start3A_292 = arith.constant 0 : i32
        %dma_start3A_293 = tpu.memref_slice %arg4[%add3A_139, %dma_start3A_291, %dma_start3A_292] : memref<16384x50x64xf32, #tpu.memory_space<hbm>> -> memref<1x50x64xf32, #tpu.memory_space<hbm>>
        %dma_start3A_294 = tpu.memref_squeeze %dma_start3A_293 : memref<1x50x64xf32, #tpu.memory_space<hbm>> -> memref<50x64xf32, #tpu.memory_space<hbm>>
        %dma_start3A_295 = arith.constant 0 : i32
        %dma_start3A_296 = arith.constant 0 : i32
        %dma_start3A_297 = tpu.memref_slice %arg4[%add3A_139, %dma_start3A_295, %dma_start3A_296] : memref<16384x50x64xf32, #tpu.memory_space<hbm>> -> memref<1x50x64xf32, #tpu.memory_space<hbm>>
        %dma_start3A_298 = tpu.memref_squeeze %dma_start3A_297 : memref<1x50x64xf32, #tpu.memory_space<hbm>> -> memref<50x64xf32, #tpu.memory_space<hbm>>
        %dma_start3A_299 = arith.constant 0 : i32
        %dma_start3A_300 = arith.constant 0 : i32
        %dma_start3A_301 = tpu.memref_slice %arg6[%run_scoped3A_140, %dma_start3A_299, %dma_start3A_300] : memref<8x50x64xf32, #tpu.memory_space<vmem>> -> memref<1x50x64xf32, #tpu.memory_space<vmem>>
        %dma_start3A_302 = tpu.memref_squeeze %dma_start3A_301 : memref<1x50x64xf32, #tpu.memory_space<vmem>> -> memref<50x64xf32, #tpu.memory_space<vmem>>
        tpu.enqueue_dma source(%dma_start3A_302 : memref<50x64xf32, #tpu.memory_space<vmem>>) target(%dma_start3A_298 : memref<50x64xf32, #tpu.memory_space<hbm>>) target_semaphore(%run_scoped3A_286 : memref<!tpu.dma_semaphore, #tpu.memory_space<semaphore_mem>>)
        %dma_wait3A_303 = arith.constant 0 : i32
        %dma_wait3A_304 = arith.constant 0 : i32
        %dma_wait3A_305 = tpu.memref_slice %arg6[%run_scoped3A_140, %dma_wait3A_303, %dma_wait3A_304] : memref<8x50x64xf32, #tpu.memory_space<vmem>> -> memref<1x50x64xf32, #tpu.memory_space<vmem>>
        %dma_wait3A_306 = tpu.memref_squeeze %dma_wait3A_305 : memref<1x50x64xf32, #tpu.memory_space<vmem>> -> memref<50x64xf32, #tpu.memory_space<vmem>>
        %dma_wait3A_307 = arith.constant 0 : i32
        %dma_wait3A_308 = arith.constant 0 : i32
        %dma_wait3A_309 = tpu.memref_slice %arg4[%add3A_139, %dma_wait3A_307, %dma_wait3A_308] : memref<16384x50x64xf32, #tpu.memory_space<hbm>> -> memref<1x50x64xf32, #tpu.memory_space<hbm>>
        %dma_wait3A_310 = tpu.memref_squeeze %dma_wait3A_309 : memref<1x50x64xf32, #tpu.memory_space<hbm>> -> memref<50x64xf32, #tpu.memory_space<hbm>>
        %dma_wait3A_311 = arith.constant 0 : i32
        %dma_wait3A_312 = arith.constant 0 : i32
        %dma_wait3A_313 = tpu.memref_slice %arg4[%add3A_139, %dma_wait3A_311, %dma_wait3A_312] : memref<16384x50x64xf32, #tpu.memory_space<hbm>> -> memref<1x50x64xf32, #tpu.memory_space<hbm>>
        %dma_wait3A_314 = tpu.memref_squeeze %dma_wait3A_313 : memref<1x50x64xf32, #tpu.memory_space<hbm>> -> memref<50x64xf32, #tpu.memory_space<hbm>>
        %dma_wait3A_315 = arith.constant 0 : i32
        %dma_wait3A_316 = arith.constant 0 : i32
        %dma_wait3A_317 = tpu.memref_slice %arg6[%run_scoped3A_140, %dma_wait3A_315, %dma_wait3A_316] : memref<8x50x64xf32, #tpu.memory_space<vmem>> -> memref<1x50x64xf32, #tpu.memory_space<vmem>>
        %dma_wait3A_318 = tpu.memref_squeeze %dma_wait3A_317 : memref<1x50x64xf32, #tpu.memory_space<vmem>> -> memref<50x64xf32, #tpu.memory_space<vmem>>
        tpu.wait_dma2 semaphore(%run_scoped3A_286 : memref<!tpu.dma_semaphore, #tpu.memory_space<semaphore_mem>>) src(%dma_wait3A_318 : memref<50x64xf32, #tpu.memory_space<vmem>>) dst(%dma_wait3A_314 : memref<50x64xf32, #tpu.memory_space<hbm>>)
        tpu.yield
      }) : () -> ()
      %add3A_141 = arith.constant 8 : i32
      %add3A_142 = arith.addi %add3A_126, %add3A_141 : i32
      %lt3A_143 = arith.constant 512 : i32
      %lt3A_144 = arith.cmpi slt, %add3A_142, %lt3A_143 : i32
      %convert_element_type3A_145 = arith.extui %lt3A_144 : i1 to i32
      %cond3A_146 = arith.constant 0 : i32
      %cond3A_147 = arith.cmpi ne, %convert_element_type3A_145, %cond3A_146 : i32
      scf.if %cond3A_147 {
        %add3A_286 = arith.constant 8 : i32
        %add3A_287 = arith.addi %add3A_126, %add3A_286 : i32
        %dma_start3A_288 = arith.constant 1 : i32
        %dma_start3A_289 = arith.constant 0 : i32
        %dma_start3A_290 = arith.constant 0 : i32
        %dma_start3A_291 = tpu.memref_slice %arg6[%dma_start3A_288, %dma_start3A_289, %dma_start3A_290] : memref<8x50x64xf32, #tpu.memory_space<vmem>> -> memref<1x50x64xf32, #tpu.memory_space<vmem>>
        %dma_start3A_292 = tpu.memref_squeeze %dma_start3A_291 : memref<1x50x64xf32, #tpu.memory_space<vmem>> -> memref<50x64xf32, #tpu.memory_space<vmem>>
        %dma_start3A_293 = arith.constant 0 : i32
        %dma_start3A_294 = tpu.memref_slice %arg5[%add3A_287, %dma_start3A_293] : memref<512x50xi32, #tpu.memory_space<vmem>> -> memref<1x50xi32, #tpu.memory_space<vmem>>
        %dma_start3A_295 = tpu.memref_squeeze %dma_start3A_294 : memref<1x50xi32, #tpu.memory_space<vmem>> -> memref<50xi32, #tpu.memory_space<vmem>>
        %dma_start3A_296 = arith.constant 0 : i32
        %dma_start3A_297 = arith.constant 0 : i32
        %dma_start3A_298 = tpu.memref_slice %arg3[%dma_start3A_296, %dma_start3A_297] : memref<1000000x64xf32, #tpu.memory_space<hbm>> -> memref<1000000x64xf32, #tpu.memory_space<hbm>>
        tpu.enqueue_indirect_dma source(%dma_start3A_298 : memref<1000000x64xf32, #tpu.memory_space<hbm>>) target(%dma_start3A_292 : memref<50x64xf32, #tpu.memory_space<vmem>>) offsets(%dma_start3A_295 : memref<50xi32, #tpu.memory_space<vmem>>) semaphore(%arg8 : memref<!tpu.dma_semaphore, #tpu.memory_space<semaphore_mem>>)
      } else {
      }
      %add3A_148 = arith.constant 2 : i32
      %add3A_149 = arith.addi %add3A_106, %add3A_148 : i32
      %dma_wait3A_150 = arith.constant 0 : i32
      %dma_wait3A_151 = arith.constant 2 : i32
      %dma_wait3A_152 = arith.constant 0 : i32
      %dma_wait3A_153 = arith.constant 0 : i32
      %dma_wait3A_154 = tpu.memref_slice %arg6[%dma_wait3A_151, %dma_wait3A_152, %dma_wait3A_153] : memref<8x50x64xf32, #tpu.memory_space<vmem>> -> memref<1x50x64xf32, #tpu.memory_space<vmem>>
      %dma_wait3A_155 = tpu.memref_squeeze %dma_wait3A_154 : memref<1x50x64xf32, #tpu.memory_space<vmem>> -> memref<50x64xf32, #tpu.memory_space<vmem>>
      %dma_wait3A_156 = arith.constant 0 : i32
      %dma_wait3A_157 = tpu.memref_slice %arg5[%dma_wait3A_150, %dma_wait3A_156] : memref<512x50xi32, #tpu.memory_space<vmem>> -> memref<1x50xi32, #tpu.memory_space<vmem>>
      %dma_wait3A_158 = tpu.memref_squeeze %dma_wait3A_157 : memref<1x50xi32, #tpu.memory_space<vmem>> -> memref<50xi32, #tpu.memory_space<vmem>>
      %dma_wait3A_159 = arith.constant 0 : i32
      %dma_wait3A_160 = arith.constant 0 : i32
      %dma_wait3A_161 = tpu.memref_slice %arg3[%dma_wait3A_159, %dma_wait3A_160] : memref<1000000x64xf32, #tpu.memory_space<hbm>> -> memref<1000000x64xf32, #tpu.memory_space<hbm>>
      tpu.wait_indirect_dma semaphore(%arg9 : memref<!tpu.dma_semaphore, #tpu.memory_space<semaphore_mem>>) src(%dma_wait3A_161 : memref<1000000x64xf32, #tpu.memory_space<hbm>>) dst(%dma_wait3A_155 : memref<50x64xf32, #tpu.memory_space<vmem>>)
      %add3A_162 = arith.addi %mul3A_2, %add3A_149 : i32
      %run_scoped3A_163 = arith.constant 2 : i32
      "tpu.region"() ({
        %run_scoped3A_286 = tpu.sem_alloc : memref<!tpu.dma_semaphore, #tpu.memory_space<semaphore_mem>>
        %dma_start3A_287 = arith.constant 0 : i32
        %dma_start3A_288 = arith.constant 0 : i32
        %dma_start3A_289 = tpu.memref_slice %arg6[%run_scoped3A_163, %dma_start3A_287, %dma_start3A_288] : memref<8x50x64xf32, #tpu.memory_space<vmem>> -> memref<1x50x64xf32, #tpu.memory_space<vmem>>
        %dma_start3A_290 = tpu.memref_squeeze %dma_start3A_289 : memref<1x50x64xf32, #tpu.memory_space<vmem>> -> memref<50x64xf32, #tpu.memory_space<vmem>>
        %dma_start3A_291 = arith.constant 0 : i32
        %dma_start3A_292 = arith.constant 0 : i32
        %dma_start3A_293 = tpu.memref_slice %arg4[%add3A_162, %dma_start3A_291, %dma_start3A_292] : memref<16384x50x64xf32, #tpu.memory_space<hbm>> -> memref<1x50x64xf32, #tpu.memory_space<hbm>>
        %dma_start3A_294 = tpu.memref_squeeze %dma_start3A_293 : memref<1x50x64xf32, #tpu.memory_space<hbm>> -> memref<50x64xf32, #tpu.memory_space<hbm>>
        %dma_start3A_295 = arith.constant 0 : i32
        %dma_start3A_296 = arith.constant 0 : i32
        %dma_start3A_297 = tpu.memref_slice %arg4[%add3A_162, %dma_start3A_295, %dma_start3A_296] : memref<16384x50x64xf32, #tpu.memory_space<hbm>> -> memref<1x50x64xf32, #tpu.memory_space<hbm>>
        %dma_start3A_298 = tpu.memref_squeeze %dma_start3A_297 : memref<1x50x64xf32, #tpu.memory_space<hbm>> -> memref<50x64xf32, #tpu.memory_space<hbm>>
        %dma_start3A_299 = arith.constant 0 : i32
        %dma_start3A_300 = arith.constant 0 : i32
        %dma_start3A_301 = tpu.memref_slice %arg6[%run_scoped3A_163, %dma_start3A_299, %dma_start3A_300] : memref<8x50x64xf32, #tpu.memory_space<vmem>> -> memref<1x50x64xf32, #tpu.memory_space<vmem>>
        %dma_start3A_302 = tpu.memref_squeeze %dma_start3A_301 : memref<1x50x64xf32, #tpu.memory_space<vmem>> -> memref<50x64xf32, #tpu.memory_space<vmem>>
        tpu.enqueue_dma source(%dma_start3A_302 : memref<50x64xf32, #tpu.memory_space<vmem>>) target(%dma_start3A_298 : memref<50x64xf32, #tpu.memory_space<hbm>>) target_semaphore(%run_scoped3A_286 : memref<!tpu.dma_semaphore, #tpu.memory_space<semaphore_mem>>)
        %dma_wait3A_303 = arith.constant 0 : i32
        %dma_wait3A_304 = arith.constant 0 : i32
        %dma_wait3A_305 = tpu.memref_slice %arg6[%run_scoped3A_163, %dma_wait3A_303, %dma_wait3A_304] : memref<8x50x64xf32, #tpu.memory_space<vmem>> -> memref<1x50x64xf32, #tpu.memory_space<vmem>>
        %dma_wait3A_306 = tpu.memref_squeeze %dma_wait3A_305 : memref<1x50x64xf32, #tpu.memory_space<vmem>> -> memref<50x64xf32, #tpu.memory_space<vmem>>
        %dma_wait3A_307 = arith.constant 0 : i32
        %dma_wait3A_308 = arith.constant 0 : i32
        %dma_wait3A_309 = tpu.memref_slice %arg4[%add3A_162, %dma_wait3A_307, %dma_wait3A_308] : memref<16384x50x64xf32, #tpu.memory_space<hbm>> -> memref<1x50x64xf32, #tpu.memory_space<hbm>>
        %dma_wait3A_310 = tpu.memref_squeeze %dma_wait3A_309 : memref<1x50x64xf32, #tpu.memory_space<hbm>> -> memref<50x64xf32, #tpu.memory_space<hbm>>
        %dma_wait3A_311 = arith.constant 0 : i32
        %dma_wait3A_312 = arith.constant 0 : i32
        %dma_wait3A_313 = tpu.memref_slice %arg4[%add3A_162, %dma_wait3A_311, %dma_wait3A_312] : memref<16384x50x64xf32, #tpu.memory_space<hbm>> -> memref<1x50x64xf32, #tpu.memory_space<hbm>>
        %dma_wait3A_314 = tpu.memref_squeeze %dma_wait3A_313 : memref<1x50x64xf32, #tpu.memory_space<hbm>> -> memref<50x64xf32, #tpu.memory_space<hbm>>
        %dma_wait3A_315 = arith.constant 0 : i32
        %dma_wait3A_316 = arith.constant 0 : i32
        %dma_wait3A_317 = tpu.memref_slice %arg6[%run_scoped3A_163, %dma_wait3A_315, %dma_wait3A_316] : memref<8x50x64xf32, #tpu.memory_space<vmem>> -> memref<1x50x64xf32, #tpu.memory_space<vmem>>
        %dma_wait3A_318 = tpu.memref_squeeze %dma_wait3A_317 : memref<1x50x64xf32, #tpu.memory_space<vmem>> -> memref<50x64xf32, #tpu.memory_space<vmem>>
        tpu.wait_dma2 semaphore(%run_scoped3A_286 : memref<!tpu.dma_semaphore, #tpu.memory_space<semaphore_mem>>) src(%dma_wait3A_318 : memref<50x64xf32, #tpu.memory_space<vmem>>) dst(%dma_wait3A_314 : memref<50x64xf32, #tpu.memory_space<hbm>>)
        tpu.yield
      }) : () -> ()
      %add3A_164 = arith.constant 8 : i32
      %add3A_165 = arith.addi %add3A_149, %add3A_164 : i32
      %lt3A_166 = arith.constant 512 : i32
      %lt3A_167 = arith.cmpi slt, %add3A_165, %lt3A_166 : i32
      %convert_element_type3A_168 = arith.extui %lt3A_167 : i1 to i32
      %cond3A_169 = arith.constant 0 : i32
      %cond3A_170 = arith.cmpi ne, %convert_element_type3A_168, %cond3A_169 : i32
      scf.if %cond3A_170 {
        %add3A_286 = arith.constant 8 : i32
        %add3A_287 = arith.addi %add3A_149, %add3A_286 : i32
        %dma_start3A_288 = arith.constant 2 : i32
        %dma_start3A_289 = arith.constant 0 : i32
        %dma_start3A_290 = arith.constant 0 : i32
        %dma_start3A_291 = tpu.memref_slice %arg6[%dma_start3A_288, %dma_start3A_289, %dma_start3A_290] : memref<8x50x64xf32, #tpu.memory_space<vmem>> -> memref<1x50x64xf32, #tpu.memory_space<vmem>>
        %dma_start3A_292 = tpu.memref_squeeze %dma_start3A_291 : memref<1x50x64xf32, #tpu.memory_space<vmem>> -> memref<50x64xf32, #tpu.memory_space<vmem>>
        %dma_start3A_293 = arith.constant 0 : i32
        %dma_start3A_294 = tpu.memref_slice %arg5[%add3A_287, %dma_start3A_293] : memref<512x50xi32, #tpu.memory_space<vmem>> -> memref<1x50xi32, #tpu.memory_space<vmem>>
        %dma_start3A_295 = tpu.memref_squeeze %dma_start3A_294 : memref<1x50xi32, #tpu.memory_space<vmem>> -> memref<50xi32, #tpu.memory_space<vmem>>
        %dma_start3A_296 = arith.constant 0 : i32
        %dma_start3A_297 = arith.constant 0 : i32
        %dma_start3A_298 = tpu.memref_slice %arg3[%dma_start3A_296, %dma_start3A_297] : memref<1000000x64xf32, #tpu.memory_space<hbm>> -> memref<1000000x64xf32, #tpu.memory_space<hbm>>
        tpu.enqueue_indirect_dma source(%dma_start3A_298 : memref<1000000x64xf32, #tpu.memory_space<hbm>>) target(%dma_start3A_292 : memref<50x64xf32, #tpu.memory_space<vmem>>) offsets(%dma_start3A_295 : memref<50xi32, #tpu.memory_space<vmem>>) semaphore(%arg9 : memref<!tpu.dma_semaphore, #tpu.memory_space<semaphore_mem>>)
      } else {
      }
      %add3A_171 = arith.constant 3 : i32
      %add3A_172 = arith.addi %add3A_106, %add3A_171 : i32
      %dma_wait3A_173 = arith.constant 0 : i32
      %dma_wait3A_174 = arith.constant 3 : i32
      %dma_wait3A_175 = arith.constant 0 : i32
      %dma_wait3A_176 = arith.constant 0 : i32
      %dma_wait3A_177 = tpu.memref_slice %arg6[%dma_wait3A_174, %dma_wait3A_175, %dma_wait3A_176] : memref<8x50x64xf32, #tpu.memory_space<vmem>> -> memref<1x50x64xf32, #tpu.memory_space<vmem>>
      %dma_wait3A_178 = tpu.memref_squeeze %dma_wait3A_177 : memref<1x50x64xf32, #tpu.memory_space<vmem>> -> memref<50x64xf32, #tpu.memory_space<vmem>>
      %dma_wait3A_179 = arith.constant 0 : i32
      %dma_wait3A_180 = tpu.memref_slice %arg5[%dma_wait3A_173, %dma_wait3A_179] : memref<512x50xi32, #tpu.memory_space<vmem>> -> memref<1x50xi32, #tpu.memory_space<vmem>>
      %dma_wait3A_181 = tpu.memref_squeeze %dma_wait3A_180 : memref<1x50xi32, #tpu.memory_space<vmem>> -> memref<50xi32, #tpu.memory_space<vmem>>
      %dma_wait3A_182 = arith.constant 0 : i32
      %dma_wait3A_183 = arith.constant 0 : i32
      %dma_wait3A_184 = tpu.memref_slice %arg3[%dma_wait3A_182, %dma_wait3A_183] : memref<1000000x64xf32, #tpu.memory_space<hbm>> -> memref<1000000x64xf32, #tpu.memory_space<hbm>>
      tpu.wait_indirect_dma semaphore(%arg10 : memref<!tpu.dma_semaphore, #tpu.memory_space<semaphore_mem>>) src(%dma_wait3A_184 : memref<1000000x64xf32, #tpu.memory_space<hbm>>) dst(%dma_wait3A_178 : memref<50x64xf32, #tpu.memory_space<vmem>>)
      %add3A_185 = arith.addi %mul3A_2, %add3A_172 : i32
      %run_scoped3A_186 = arith.constant 3 : i32
      "tpu.region"() ({
        %run_scoped3A_286 = tpu.sem_alloc : memref<!tpu.dma_semaphore, #tpu.memory_space<semaphore_mem>>
        %dma_start3A_287 = arith.constant 0 : i32
        %dma_start3A_288 = arith.constant 0 : i32
        %dma_start3A_289 = tpu.memref_slice %arg6[%run_scoped3A_186, %dma_start3A_287, %dma_start3A_288] : memref<8x50x64xf32, #tpu.memory_space<vmem>> -> memref<1x50x64xf32, #tpu.memory_space<vmem>>
        %dma_start3A_290 = tpu.memref_squeeze %dma_start3A_289 : memref<1x50x64xf32, #tpu.memory_space<vmem>> -> memref<50x64xf32, #tpu.memory_space<vmem>>
        %dma_start3A_291 = arith.constant 0 : i32
        %dma_start3A_292 = arith.constant 0 : i32
        %dma_start3A_293 = tpu.memref_slice %arg4[%add3A_185, %dma_start3A_291, %dma_start3A_292] : memref<16384x50x64xf32, #tpu.memory_space<hbm>> -> memref<1x50x64xf32, #tpu.memory_space<hbm>>
        %dma_start3A_294 = tpu.memref_squeeze %dma_start3A_293 : memref<1x50x64xf32, #tpu.memory_space<hbm>> -> memref<50x64xf32, #tpu.memory_space<hbm>>
        %dma_start3A_295 = arith.constant 0 : i32
        %dma_start3A_296 = arith.constant 0 : i32
        %dma_start3A_297 = tpu.memref_slice %arg4[%add3A_185, %dma_start3A_295, %dma_start3A_296] : memref<16384x50x64xf32, #tpu.memory_space<hbm>> -> memref<1x50x64xf32, #tpu.memory_space<hbm>>
        %dma_start3A_298 = tpu.memref_squeeze %dma_start3A_297 : memref<1x50x64xf32, #tpu.memory_space<hbm>> -> memref<50x64xf32, #tpu.memory_space<hbm>>
        %dma_start3A_299 = arith.constant 0 : i32
        %dma_start3A_300 = arith.constant 0 : i32
        %dma_start3A_301 = tpu.memref_slice %arg6[%run_scoped3A_186, %dma_start3A_299, %dma_start3A_300] : memref<8x50x64xf32, #tpu.memory_space<vmem>> -> memref<1x50x64xf32, #tpu.memory_space<vmem>>
        %dma_start3A_302 = tpu.memref_squeeze %dma_start3A_301 : memref<1x50x64xf32, #tpu.memory_space<vmem>> -> memref<50x64xf32, #tpu.memory_space<vmem>>
        tpu.enqueue_dma source(%dma_start3A_302 : memref<50x64xf32, #tpu.memory_space<vmem>>) target(%dma_start3A_298 : memref<50x64xf32, #tpu.memory_space<hbm>>) target_semaphore(%run_scoped3A_286 : memref<!tpu.dma_semaphore, #tpu.memory_space<semaphore_mem>>)
        %dma_wait3A_303 = arith.constant 0 : i32
        %dma_wait3A_304 = arith.constant 0 : i32
        %dma_wait3A_305 = tpu.memref_slice %arg6[%run_scoped3A_186, %dma_wait3A_303, %dma_wait3A_304] : memref<8x50x64xf32, #tpu.memory_space<vmem>> -> memref<1x50x64xf32, #tpu.memory_space<vmem>>
        %dma_wait3A_306 = tpu.memref_squeeze %dma_wait3A_305 : memref<1x50x64xf32, #tpu.memory_space<vmem>> -> memref<50x64xf32, #tpu.memory_space<vmem>>
        %dma_wait3A_307 = arith.constant 0 : i32
        %dma_wait3A_308 = arith.constant 0 : i32
        %dma_wait3A_309 = tpu.memref_slice %arg4[%add3A_185, %dma_wait3A_307, %dma_wait3A_308] : memref<16384x50x64xf32, #tpu.memory_space<hbm>> -> memref<1x50x64xf32, #tpu.memory_space<hbm>>
        %dma_wait3A_310 = tpu.memref_squeeze %dma_wait3A_309 : memref<1x50x64xf32, #tpu.memory_space<hbm>> -> memref<50x64xf32, #tpu.memory_space<hbm>>
        %dma_wait3A_311 = arith.constant 0 : i32
        %dma_wait3A_312 = arith.constant 0 : i32
        %dma_wait3A_313 = tpu.memref_slice %arg4[%add3A_185, %dma_wait3A_311, %dma_wait3A_312] : memref<16384x50x64xf32, #tpu.memory_space<hbm>> -> memref<1x50x64xf32, #tpu.memory_space<hbm>>
        %dma_wait3A_314 = tpu.memref_squeeze %dma_wait3A_313 : memref<1x50x64xf32, #tpu.memory_space<hbm>> -> memref<50x64xf32, #tpu.memory_space<hbm>>
        %dma_wait3A_315 = arith.constant 0 : i32
        %dma_wait3A_316 = arith.constant 0 : i32
        %dma_wait3A_317 = tpu.memref_slice %arg6[%run_scoped3A_186, %dma_wait3A_315, %dma_wait3A_316] : memref<8x50x64xf32, #tpu.memory_space<vmem>> -> memref<1x50x64xf32, #tpu.memory_space<vmem>>
        %dma_wait3A_318 = tpu.memref_squeeze %dma_wait3A_317 : memref<1x50x64xf32, #tpu.memory_space<vmem>> -> memref<50x64xf32, #tpu.memory_space<vmem>>
        tpu.wait_dma2 semaphore(%run_scoped3A_286 : memref<!tpu.dma_semaphore, #tpu.memory_space<semaphore_mem>>) src(%dma_wait3A_318 : memref<50x64xf32, #tpu.memory_space<vmem>>) dst(%dma_wait3A_314 : memref<50x64xf32, #tpu.memory_space<hbm>>)
        tpu.yield
      }) : () -> ()
      %add3A_187 = arith.constant 8 : i32
      %add3A_188 = arith.addi %add3A_172, %add3A_187 : i32
      %lt3A_189 = arith.constant 512 : i32
      %lt3A_190 = arith.cmpi slt, %add3A_188, %lt3A_189 : i32
      %convert_element_type3A_191 = arith.extui %lt3A_190 : i1 to i32
      %cond3A_192 = arith.constant 0 : i32
      %cond3A_193 = arith.cmpi ne, %convert_element_type3A_191, %cond3A_192 : i32
      scf.if %cond3A_193 {
        %add3A_286 = arith.constant 8 : i32
        %add3A_287 = arith.addi %add3A_172, %add3A_286 : i32
        %dma_start3A_288 = arith.constant 3 : i32
        %dma_start3A_289 = arith.constant 0 : i32
        %dma_start3A_290 = arith.constant 0 : i32
        %dma_start3A_291 = tpu.memref_slice %arg6[%dma_start3A_288, %dma_start3A_289, %dma_start3A_290] : memref<8x50x64xf32, #tpu.memory_space<vmem>> -> memref<1x50x64xf32, #tpu.memory_space<vmem>>
        %dma_start3A_292 = tpu.memref_squeeze %dma_start3A_291 : memref<1x50x64xf32, #tpu.memory_space<vmem>> -> memref<50x64xf32, #tpu.memory_space<vmem>>
        %dma_start3A_293 = arith.constant 0 : i32
        %dma_start3A_294 = tpu.memref_slice %arg5[%add3A_287, %dma_start3A_293] : memref<512x50xi32, #tpu.memory_space<vmem>> -> memref<1x50xi32, #tpu.memory_space<vmem>>
        %dma_start3A_295 = tpu.memref_squeeze %dma_start3A_294 : memref<1x50xi32, #tpu.memory_space<vmem>> -> memref<50xi32, #tpu.memory_space<vmem>>
        %dma_start3A_296 = arith.constant 0 : i32
        %dma_start3A_297 = arith.constant 0 : i32
        %dma_start3A_298 = tpu.memref_slice %arg3[%dma_start3A_296, %dma_start3A_297] : memref<1000000x64xf32, #tpu.memory_space<hbm>> -> memref<1000000x64xf32, #tpu.memory_space<hbm>>
        tpu.enqueue_indirect_dma source(%dma_start3A_298 : memref<1000000x64xf32, #tpu.memory_space<hbm>>) target(%dma_start3A_292 : memref<50x64xf32, #tpu.memory_space<vmem>>) offsets(%dma_start3A_295 : memref<50xi32, #tpu.memory_space<vmem>>) semaphore(%arg10 : memref<!tpu.dma_semaphore, #tpu.memory_space<semaphore_mem>>)
      } else {
      }
      %add3A_194 = arith.constant 4 : i32
      %add3A_195 = arith.addi %add3A_106, %add3A_194 : i32
      %dma_wait3A_196 = arith.constant 0 : i32
      %dma_wait3A_197 = arith.constant 4 : i32
      %dma_wait3A_198 = arith.constant 0 : i32
      %dma_wait3A_199 = arith.constant 0 : i32
      %dma_wait3A_200 = tpu.memref_slice %arg6[%dma_wait3A_197, %dma_wait3A_198, %dma_wait3A_199] : memref<8x50x64xf32, #tpu.memory_space<vmem>> -> memref<1x50x64xf32, #tpu.memory_space<vmem>>
      %dma_wait3A_201 = tpu.memref_squeeze %dma_wait3A_200 : memref<1x50x64xf32, #tpu.memory_space<vmem>> -> memref<50x64xf32, #tpu.memory_space<vmem>>
      %dma_wait3A_202 = arith.constant 0 : i32
      %dma_wait3A_203 = tpu.memref_slice %arg5[%dma_wait3A_196, %dma_wait3A_202] : memref<512x50xi32, #tpu.memory_space<vmem>> -> memref<1x50xi32, #tpu.memory_space<vmem>>
      %dma_wait3A_204 = tpu.memref_squeeze %dma_wait3A_203 : memref<1x50xi32, #tpu.memory_space<vmem>> -> memref<50xi32, #tpu.memory_space<vmem>>
      %dma_wait3A_205 = arith.constant 0 : i32
      %dma_wait3A_206 = arith.constant 0 : i32
      %dma_wait3A_207 = tpu.memref_slice %arg3[%dma_wait3A_205, %dma_wait3A_206] : memref<1000000x64xf32, #tpu.memory_space<hbm>> -> memref<1000000x64xf32, #tpu.memory_space<hbm>>
      tpu.wait_indirect_dma semaphore(%arg11 : memref<!tpu.dma_semaphore, #tpu.memory_space<semaphore_mem>>) src(%dma_wait3A_207 : memref<1000000x64xf32, #tpu.memory_space<hbm>>) dst(%dma_wait3A_201 : memref<50x64xf32, #tpu.memory_space<vmem>>)
      %add3A_208 = arith.addi %mul3A_2, %add3A_195 : i32
      %run_scoped3A_209 = arith.constant 4 : i32
      "tpu.region"() ({
        %run_scoped3A_286 = tpu.sem_alloc : memref<!tpu.dma_semaphore, #tpu.memory_space<semaphore_mem>>
        %dma_start3A_287 = arith.constant 0 : i32
        %dma_start3A_288 = arith.constant 0 : i32
        %dma_start3A_289 = tpu.memref_slice %arg6[%run_scoped3A_209, %dma_start3A_287, %dma_start3A_288] : memref<8x50x64xf32, #tpu.memory_space<vmem>> -> memref<1x50x64xf32, #tpu.memory_space<vmem>>
        %dma_start3A_290 = tpu.memref_squeeze %dma_start3A_289 : memref<1x50x64xf32, #tpu.memory_space<vmem>> -> memref<50x64xf32, #tpu.memory_space<vmem>>
        %dma_start3A_291 = arith.constant 0 : i32
        %dma_start3A_292 = arith.constant 0 : i32
        %dma_start3A_293 = tpu.memref_slice %arg4[%add3A_208, %dma_start3A_291, %dma_start3A_292] : memref<16384x50x64xf32, #tpu.memory_space<hbm>> -> memref<1x50x64xf32, #tpu.memory_space<hbm>>
        %dma_start3A_294 = tpu.memref_squeeze %dma_start3A_293 : memref<1x50x64xf32, #tpu.memory_space<hbm>> -> memref<50x64xf32, #tpu.memory_space<hbm>>
        %dma_start3A_295 = arith.constant 0 : i32
        %dma_start3A_296 = arith.constant 0 : i32
        %dma_start3A_297 = tpu.memref_slice %arg4[%add3A_208, %dma_start3A_295, %dma_start3A_296] : memref<16384x50x64xf32, #tpu.memory_space<hbm>> -> memref<1x50x64xf32, #tpu.memory_space<hbm>>
        %dma_start3A_298 = tpu.memref_squeeze %dma_start3A_297 : memref<1x50x64xf32, #tpu.memory_space<hbm>> -> memref<50x64xf32, #tpu.memory_space<hbm>>
        %dma_start3A_299 = arith.constant 0 : i32
        %dma_start3A_300 = arith.constant 0 : i32
        %dma_start3A_301 = tpu.memref_slice %arg6[%run_scoped3A_209, %dma_start3A_299, %dma_start3A_300] : memref<8x50x64xf32, #tpu.memory_space<vmem>> -> memref<1x50x64xf32, #tpu.memory_space<vmem>>
        %dma_start3A_302 = tpu.memref_squeeze %dma_start3A_301 : memref<1x50x64xf32, #tpu.memory_space<vmem>> -> memref<50x64xf32, #tpu.memory_space<vmem>>
        tpu.enqueue_dma source(%dma_start3A_302 : memref<50x64xf32, #tpu.memory_space<vmem>>) target(%dma_start3A_298 : memref<50x64xf32, #tpu.memory_space<hbm>>) target_semaphore(%run_scoped3A_286 : memref<!tpu.dma_semaphore, #tpu.memory_space<semaphore_mem>>)
        %dma_wait3A_303 = arith.constant 0 : i32
        %dma_wait3A_304 = arith.constant 0 : i32
        %dma_wait3A_305 = tpu.memref_slice %arg6[%run_scoped3A_209, %dma_wait3A_303, %dma_wait3A_304] : memref<8x50x64xf32, #tpu.memory_space<vmem>> -> memref<1x50x64xf32, #tpu.memory_space<vmem>>
        %dma_wait3A_306 = tpu.memref_squeeze %dma_wait3A_305 : memref<1x50x64xf32, #tpu.memory_space<vmem>> -> memref<50x64xf32, #tpu.memory_space<vmem>>
        %dma_wait3A_307 = arith.constant 0 : i32
        %dma_wait3A_308 = arith.constant 0 : i32
        %dma_wait3A_309 = tpu.memref_slice %arg4[%add3A_208, %dma_wait3A_307, %dma_wait3A_308] : memref<16384x50x64xf32, #tpu.memory_space<hbm>> -> memref<1x50x64xf32, #tpu.memory_space<hbm>>
        %dma_wait3A_310 = tpu.memref_squeeze %dma_wait3A_309 : memref<1x50x64xf32, #tpu.memory_space<hbm>> -> memref<50x64xf32, #tpu.memory_space<hbm>>
        %dma_wait3A_311 = arith.constant 0 : i32
        %dma_wait3A_312 = arith.constant 0 : i32
        %dma_wait3A_313 = tpu.memref_slice %arg4[%add3A_208, %dma_wait3A_311, %dma_wait3A_312] : memref<16384x50x64xf32, #tpu.memory_space<hbm>> -> memref<1x50x64xf32, #tpu.memory_space<hbm>>
        %dma_wait3A_314 = tpu.memref_squeeze %dma_wait3A_313 : memref<1x50x64xf32, #tpu.memory_space<hbm>> -> memref<50x64xf32, #tpu.memory_space<hbm>>
        %dma_wait3A_315 = arith.constant 0 : i32
        %dma_wait3A_316 = arith.constant 0 : i32
        %dma_wait3A_317 = tpu.memref_slice %arg6[%run_scoped3A_209, %dma_wait3A_315, %dma_wait3A_316] : memref<8x50x64xf32, #tpu.memory_space<vmem>> -> memref<1x50x64xf32, #tpu.memory_space<vmem>>
        %dma_wait3A_318 = tpu.memref_squeeze %dma_wait3A_317 : memref<1x50x64xf32, #tpu.memory_space<vmem>> -> memref<50x64xf32, #tpu.memory_space<vmem>>
        tpu.wait_dma2 semaphore(%run_scoped3A_286 : memref<!tpu.dma_semaphore, #tpu.memory_space<semaphore_mem>>) src(%dma_wait3A_318 : memref<50x64xf32, #tpu.memory_space<vmem>>) dst(%dma_wait3A_314 : memref<50x64xf32, #tpu.memory_space<hbm>>)
        tpu.yield
      }) : () -> ()
      %add3A_210 = arith.constant 8 : i32
      %add3A_211 = arith.addi %add3A_195, %add3A_210 : i32
      %lt3A_212 = arith.constant 512 : i32
      %lt3A_213 = arith.cmpi slt, %add3A_211, %lt3A_212 : i32
      %convert_element_type3A_214 = arith.extui %lt3A_213 : i1 to i32
      %cond3A_215 = arith.constant 0 : i32
      %cond3A_216 = arith.cmpi ne, %convert_element_type3A_214, %cond3A_215 : i32
      scf.if %cond3A_216 {
        %add3A_286 = arith.constant 8 : i32
        %add3A_287 = arith.addi %add3A_195, %add3A_286 : i32
        %dma_start3A_288 = arith.constant 4 : i32
        %dma_start3A_289 = arith.constant 0 : i32
        %dma_start3A_290 = arith.constant 0 : i32
        %dma_start3A_291 = tpu.memref_slice %arg6[%dma_start3A_288, %dma_start3A_289, %dma_start3A_290] : memref<8x50x64xf32, #tpu.memory_space<vmem>> -> memref<1x50x64xf32, #tpu.memory_space<vmem>>
        %dma_start3A_292 = tpu.memref_squeeze %dma_start3A_291 : memref<1x50x64xf32, #tpu.memory_space<vmem>> -> memref<50x64xf32, #tpu.memory_space<vmem>>
        %dma_start3A_293 = arith.constant 0 : i32
        %dma_start3A_294 = tpu.memref_slice %arg5[%add3A_287, %dma_start3A_293] : memref<512x50xi32, #tpu.memory_space<vmem>> -> memref<1x50xi32, #tpu.memory_space<vmem>>
        %dma_start3A_295 = tpu.memref_squeeze %dma_start3A_294 : memref<1x50xi32, #tpu.memory_space<vmem>> -> memref<50xi32, #tpu.memory_space<vmem>>
        %dma_start3A_296 = arith.constant 0 : i32
        %dma_start3A_297 = arith.constant 0 : i32
        %dma_start3A_298 = tpu.memref_slice %arg3[%dma_start3A_296, %dma_start3A_297] : memref<1000000x64xf32, #tpu.memory_space<hbm>> -> memref<1000000x64xf32, #tpu.memory_space<hbm>>
        tpu.enqueue_indirect_dma source(%dma_start3A_298 : memref<1000000x64xf32, #tpu.memory_space<hbm>>) target(%dma_start3A_292 : memref<50x64xf32, #tpu.memory_space<vmem>>) offsets(%dma_start3A_295 : memref<50xi32, #tpu.memory_space<vmem>>) semaphore(%arg11 : memref<!tpu.dma_semaphore, #tpu.memory_space<semaphore_mem>>)
      } else {
      }
      %add3A_217 = arith.constant 5 : i32
      %add3A_218 = arith.addi %add3A_106, %add3A_217 : i32
      %dma_wait3A_219 = arith.constant 0 : i32
      %dma_wait3A_220 = arith.constant 5 : i32
      %dma_wait3A_221 = arith.constant 0 : i32
      %dma_wait3A_222 = arith.constant 0 : i32
      %dma_wait3A_223 = tpu.memref_slice %arg6[%dma_wait3A_220, %dma_wait3A_221, %dma_wait3A_222] : memref<8x50x64xf32, #tpu.memory_space<vmem>> -> memref<1x50x64xf32, #tpu.memory_space<vmem>>
      %dma_wait3A_224 = tpu.memref_squeeze %dma_wait3A_223 : memref<1x50x64xf32, #tpu.memory_space<vmem>> -> memref<50x64xf32, #tpu.memory_space<vmem>>
      %dma_wait3A_225 = arith.constant 0 : i32
      %dma_wait3A_226 = tpu.memref_slice %arg5[%dma_wait3A_219, %dma_wait3A_225] : memref<512x50xi32, #tpu.memory_space<vmem>> -> memref<1x50xi32, #tpu.memory_space<vmem>>
      %dma_wait3A_227 = tpu.memref_squeeze %dma_wait3A_226 : memref<1x50xi32, #tpu.memory_space<vmem>> -> memref<50xi32, #tpu.memory_space<vmem>>
      %dma_wait3A_228 = arith.constant 0 : i32
      %dma_wait3A_229 = arith.constant 0 : i32
      %dma_wait3A_230 = tpu.memref_slice %arg3[%dma_wait3A_228, %dma_wait3A_229] : memref<1000000x64xf32, #tpu.memory_space<hbm>> -> memref<1000000x64xf32, #tpu.memory_space<hbm>>
      tpu.wait_indirect_dma semaphore(%arg12 : memref<!tpu.dma_semaphore, #tpu.memory_space<semaphore_mem>>) src(%dma_wait3A_230 : memref<1000000x64xf32, #tpu.memory_space<hbm>>) dst(%dma_wait3A_224 : memref<50x64xf32, #tpu.memory_space<vmem>>)
      %add3A_231 = arith.addi %mul3A_2, %add3A_218 : i32
      %run_scoped3A_232 = arith.constant 5 : i32
      "tpu.region"() ({
        %run_scoped3A_286 = tpu.sem_alloc : memref<!tpu.dma_semaphore, #tpu.memory_space<semaphore_mem>>
        %dma_start3A_287 = arith.constant 0 : i32
        %dma_start3A_288 = arith.constant 0 : i32
        %dma_start3A_289 = tpu.memref_slice %arg6[%run_scoped3A_232, %dma_start3A_287, %dma_start3A_288] : memref<8x50x64xf32, #tpu.memory_space<vmem>> -> memref<1x50x64xf32, #tpu.memory_space<vmem>>
        %dma_start3A_290 = tpu.memref_squeeze %dma_start3A_289 : memref<1x50x64xf32, #tpu.memory_space<vmem>> -> memref<50x64xf32, #tpu.memory_space<vmem>>
        %dma_start3A_291 = arith.constant 0 : i32
        %dma_start3A_292 = arith.constant 0 : i32
        %dma_start3A_293 = tpu.memref_slice %arg4[%add3A_231, %dma_start3A_291, %dma_start3A_292] : memref<16384x50x64xf32, #tpu.memory_space<hbm>> -> memref<1x50x64xf32, #tpu.memory_space<hbm>>
        %dma_start3A_294 = tpu.memref_squeeze %dma_start3A_293 : memref<1x50x64xf32, #tpu.memory_space<hbm>> -> memref<50x64xf32, #tpu.memory_space<hbm>>
        %dma_start3A_295 = arith.constant 0 : i32
        %dma_start3A_296 = arith.constant 0 : i32
        %dma_start3A_297 = tpu.memref_slice %arg4[%add3A_231, %dma_start3A_295, %dma_start3A_296] : memref<16384x50x64xf32, #tpu.memory_space<hbm>> -> memref<1x50x64xf32, #tpu.memory_space<hbm>>
        %dma_start3A_298 = tpu.memref_squeeze %dma_start3A_297 : memref<1x50x64xf32, #tpu.memory_space<hbm>> -> memref<50x64xf32, #tpu.memory_space<hbm>>
        %dma_start3A_299 = arith.constant 0 : i32
        %dma_start3A_300 = arith.constant 0 : i32
        %dma_start3A_301 = tpu.memref_slice %arg6[%run_scoped3A_232, %dma_start3A_299, %dma_start3A_300] : memref<8x50x64xf32, #tpu.memory_space<vmem>> -> memref<1x50x64xf32, #tpu.memory_space<vmem>>
        %dma_start3A_302 = tpu.memref_squeeze %dma_start3A_301 : memref<1x50x64xf32, #tpu.memory_space<vmem>> -> memref<50x64xf32, #tpu.memory_space<vmem>>
        tpu.enqueue_dma source(%dma_start3A_302 : memref<50x64xf32, #tpu.memory_space<vmem>>) target(%dma_start3A_298 : memref<50x64xf32, #tpu.memory_space<hbm>>) target_semaphore(%run_scoped3A_286 : memref<!tpu.dma_semaphore, #tpu.memory_space<semaphore_mem>>)
        %dma_wait3A_303 = arith.constant 0 : i32
        %dma_wait3A_304 = arith.constant 0 : i32
        %dma_wait3A_305 = tpu.memref_slice %arg6[%run_scoped3A_232, %dma_wait3A_303, %dma_wait3A_304] : memref<8x50x64xf32, #tpu.memory_space<vmem>> -> memref<1x50x64xf32, #tpu.memory_space<vmem>>
        %dma_wait3A_306 = tpu.memref_squeeze %dma_wait3A_305 : memref<1x50x64xf32, #tpu.memory_space<vmem>> -> memref<50x64xf32, #tpu.memory_space<vmem>>
        %dma_wait3A_307 = arith.constant 0 : i32
        %dma_wait3A_308 = arith.constant 0 : i32
        %dma_wait3A_309 = tpu.memref_slice %arg4[%add3A_231, %dma_wait3A_307, %dma_wait3A_308] : memref<16384x50x64xf32, #tpu.memory_space<hbm>> -> memref<1x50x64xf32, #tpu.memory_space<hbm>>
        %dma_wait3A_310 = tpu.memref_squeeze %dma_wait3A_309 : memref<1x50x64xf32, #tpu.memory_space<hbm>> -> memref<50x64xf32, #tpu.memory_space<hbm>>
        %dma_wait3A_311 = arith.constant 0 : i32
        %dma_wait3A_312 = arith.constant 0 : i32
        %dma_wait3A_313 = tpu.memref_slice %arg4[%add3A_231, %dma_wait3A_311, %dma_wait3A_312] : memref<16384x50x64xf32, #tpu.memory_space<hbm>> -> memref<1x50x64xf32, #tpu.memory_space<hbm>>
        %dma_wait3A_314 = tpu.memref_squeeze %dma_wait3A_313 : memref<1x50x64xf32, #tpu.memory_space<hbm>> -> memref<50x64xf32, #tpu.memory_space<hbm>>
        %dma_wait3A_315 = arith.constant 0 : i32
        %dma_wait3A_316 = arith.constant 0 : i32
        %dma_wait3A_317 = tpu.memref_slice %arg6[%run_scoped3A_232, %dma_wait3A_315, %dma_wait3A_316] : memref<8x50x64xf32, #tpu.memory_space<vmem>> -> memref<1x50x64xf32, #tpu.memory_space<vmem>>
        %dma_wait3A_318 = tpu.memref_squeeze %dma_wait3A_317 : memref<1x50x64xf32, #tpu.memory_space<vmem>> -> memref<50x64xf32, #tpu.memory_space<vmem>>
        tpu.wait_dma2 semaphore(%run_scoped3A_286 : memref<!tpu.dma_semaphore, #tpu.memory_space<semaphore_mem>>) src(%dma_wait3A_318 : memref<50x64xf32, #tpu.memory_space<vmem>>) dst(%dma_wait3A_314 : memref<50x64xf32, #tpu.memory_space<hbm>>)
        tpu.yield
      }) : () -> ()
      %add3A_233 = arith.constant 8 : i32
      %add3A_234 = arith.addi %add3A_218, %add3A_233 : i32
      %lt3A_235 = arith.constant 512 : i32
      %lt3A_236 = arith.cmpi slt, %add3A_234, %lt3A_235 : i32
      %convert_element_type3A_237 = arith.extui %lt3A_236 : i1 to i32
      %cond3A_238 = arith.constant 0 : i32
      %cond3A_239 = arith.cmpi ne, %convert_element_type3A_237, %cond3A_238 : i32
      scf.if %cond3A_239 {
        %add3A_286 = arith.constant 8 : i32
        %add3A_287 = arith.addi %add3A_218, %add3A_286 : i32
        %dma_start3A_288 = arith.constant 5 : i32
        %dma_start3A_289 = arith.constant 0 : i32
        %dma_start3A_290 = arith.constant 0 : i32
        %dma_start3A_291 = tpu.memref_slice %arg6[%dma_start3A_288, %dma_start3A_289, %dma_start3A_290] : memref<8x50x64xf32, #tpu.memory_space<vmem>> -> memref<1x50x64xf32, #tpu.memory_space<vmem>>
        %dma_start3A_292 = tpu.memref_squeeze %dma_start3A_291 : memref<1x50x64xf32, #tpu.memory_space<vmem>> -> memref<50x64xf32, #tpu.memory_space<vmem>>
        %dma_start3A_293 = arith.constant 0 : i32
        %dma_start3A_294 = tpu.memref_slice %arg5[%add3A_287, %dma_start3A_293] : memref<512x50xi32, #tpu.memory_space<vmem>> -> memref<1x50xi32, #tpu.memory_space<vmem>>
        %dma_start3A_295 = tpu.memref_squeeze %dma_start3A_294 : memref<1x50xi32, #tpu.memory_space<vmem>> -> memref<50xi32, #tpu.memory_space<vmem>>
        %dma_start3A_296 = arith.constant 0 : i32
        %dma_start3A_297 = arith.constant 0 : i32
        %dma_start3A_298 = tpu.memref_slice %arg3[%dma_start3A_296, %dma_start3A_297] : memref<1000000x64xf32, #tpu.memory_space<hbm>> -> memref<1000000x64xf32, #tpu.memory_space<hbm>>
        tpu.enqueue_indirect_dma source(%dma_start3A_298 : memref<1000000x64xf32, #tpu.memory_space<hbm>>) target(%dma_start3A_292 : memref<50x64xf32, #tpu.memory_space<vmem>>) offsets(%dma_start3A_295 : memref<50xi32, #tpu.memory_space<vmem>>) semaphore(%arg12 : memref<!tpu.dma_semaphore, #tpu.memory_space<semaphore_mem>>)
      } else {
      }
      %add3A_240 = arith.constant 6 : i32
      %add3A_241 = arith.addi %add3A_106, %add3A_240 : i32
      %dma_wait3A_242 = arith.constant 0 : i32
      %dma_wait3A_243 = arith.constant 6 : i32
      %dma_wait3A_244 = arith.constant 0 : i32
      %dma_wait3A_245 = arith.constant 0 : i32
      %dma_wait3A_246 = tpu.memref_slice %arg6[%dma_wait3A_243, %dma_wait3A_244, %dma_wait3A_245] : memref<8x50x64xf32, #tpu.memory_space<vmem>> -> memref<1x50x64xf32, #tpu.memory_space<vmem>>
      %dma_wait3A_247 = tpu.memref_squeeze %dma_wait3A_246 : memref<1x50x64xf32, #tpu.memory_space<vmem>> -> memref<50x64xf32, #tpu.memory_space<vmem>>
      %dma_wait3A_248 = arith.constant 0 : i32
      %dma_wait3A_249 = tpu.memref_slice %arg5[%dma_wait3A_242, %dma_wait3A_248] : memref<512x50xi32, #tpu.memory_space<vmem>> -> memref<1x50xi32, #tpu.memory_space<vmem>>
      %dma_wait3A_250 = tpu.memref_squeeze %dma_wait3A_249 : memref<1x50xi32, #tpu.memory_space<vmem>> -> memref<50xi32, #tpu.memory_space<vmem>>
      %dma_wait3A_251 = arith.constant 0 : i32
      %dma_wait3A_252 = arith.constant 0 : i32
      %dma_wait3A_253 = tpu.memref_slice %arg3[%dma_wait3A_251, %dma_wait3A_252] : memref<1000000x64xf32, #tpu.memory_space<hbm>> -> memref<1000000x64xf32, #tpu.memory_space<hbm>>
      tpu.wait_indirect_dma semaphore(%arg13 : memref<!tpu.dma_semaphore, #tpu.memory_space<semaphore_mem>>) src(%dma_wait3A_253 : memref<1000000x64xf32, #tpu.memory_space<hbm>>) dst(%dma_wait3A_247 : memref<50x64xf32, #tpu.memory_space<vmem>>)
      %add3A_254 = arith.addi %mul3A_2, %add3A_241 : i32
      %run_scoped3A_255 = arith.constant 6 : i32
      "tpu.region"() ({
        %run_scoped3A_286 = tpu.sem_alloc : memref<!tpu.dma_semaphore, #tpu.memory_space<semaphore_mem>>
        %dma_start3A_287 = arith.constant 0 : i32
        %dma_start3A_288 = arith.constant 0 : i32
        %dma_start3A_289 = tpu.memref_slice %arg6[%run_scoped3A_255, %dma_start3A_287, %dma_start3A_288] : memref<8x50x64xf32, #tpu.memory_space<vmem>> -> memref<1x50x64xf32, #tpu.memory_space<vmem>>
        %dma_start3A_290 = tpu.memref_squeeze %dma_start3A_289 : memref<1x50x64xf32, #tpu.memory_space<vmem>> -> memref<50x64xf32, #tpu.memory_space<vmem>>
        %dma_start3A_291 = arith.constant 0 : i32
        %dma_start3A_292 = arith.constant 0 : i32
        %dma_start3A_293 = tpu.memref_slice %arg4[%add3A_254, %dma_start3A_291, %dma_start3A_292] : memref<16384x50x64xf32, #tpu.memory_space<hbm>> -> memref<1x50x64xf32, #tpu.memory_space<hbm>>
        %dma_start3A_294 = tpu.memref_squeeze %dma_start3A_293 : memref<1x50x64xf32, #tpu.memory_space<hbm>> -> memref<50x64xf32, #tpu.memory_space<hbm>>
        %dma_start3A_295 = arith.constant 0 : i32
        %dma_start3A_296 = arith.constant 0 : i32
        %dma_start3A_297 = tpu.memref_slice %arg4[%add3A_254, %dma_start3A_295, %dma_start3A_296] : memref<16384x50x64xf32, #tpu.memory_space<hbm>> -> memref<1x50x64xf32, #tpu.memory_space<hbm>>
        %dma_start3A_298 = tpu.memref_squeeze %dma_start3A_297 : memref<1x50x64xf32, #tpu.memory_space<hbm>> -> memref<50x64xf32, #tpu.memory_space<hbm>>
        %dma_start3A_299 = arith.constant 0 : i32
        %dma_start3A_300 = arith.constant 0 : i32
        %dma_start3A_301 = tpu.memref_slice %arg6[%run_scoped3A_255, %dma_start3A_299, %dma_start3A_300] : memref<8x50x64xf32, #tpu.memory_space<vmem>> -> memref<1x50x64xf32, #tpu.memory_space<vmem>>
        %dma_start3A_302 = tpu.memref_squeeze %dma_start3A_301 : memref<1x50x64xf32, #tpu.memory_space<vmem>> -> memref<50x64xf32, #tpu.memory_space<vmem>>
        tpu.enqueue_dma source(%dma_start3A_302 : memref<50x64xf32, #tpu.memory_space<vmem>>) target(%dma_start3A_298 : memref<50x64xf32, #tpu.memory_space<hbm>>) target_semaphore(%run_scoped3A_286 : memref<!tpu.dma_semaphore, #tpu.memory_space<semaphore_mem>>)
        %dma_wait3A_303 = arith.constant 0 : i32
        %dma_wait3A_304 = arith.constant 0 : i32
        %dma_wait3A_305 = tpu.memref_slice %arg6[%run_scoped3A_255, %dma_wait3A_303, %dma_wait3A_304] : memref<8x50x64xf32, #tpu.memory_space<vmem>> -> memref<1x50x64xf32, #tpu.memory_space<vmem>>
        %dma_wait3A_306 = tpu.memref_squeeze %dma_wait3A_305 : memref<1x50x64xf32, #tpu.memory_space<vmem>> -> memref<50x64xf32, #tpu.memory_space<vmem>>
        %dma_wait3A_307 = arith.constant 0 : i32
        %dma_wait3A_308 = arith.constant 0 : i32
        %dma_wait3A_309 = tpu.memref_slice %arg4[%add3A_254, %dma_wait3A_307, %dma_wait3A_308] : memref<16384x50x64xf32, #tpu.memory_space<hbm>> -> memref<1x50x64xf32, #tpu.memory_space<hbm>>
        %dma_wait3A_310 = tpu.memref_squeeze %dma_wait3A_309 : memref<1x50x64xf32, #tpu.memory_space<hbm>> -> memref<50x64xf32, #tpu.memory_space<hbm>>
        %dma_wait3A_311 = arith.constant 0 : i32
        %dma_wait3A_312 = arith.constant 0 : i32
        %dma_wait3A_313 = tpu.memref_slice %arg4[%add3A_254, %dma_wait3A_311, %dma_wait3A_312] : memref<16384x50x64xf32, #tpu.memory_space<hbm>> -> memref<1x50x64xf32, #tpu.memory_space<hbm>>
        %dma_wait3A_314 = tpu.memref_squeeze %dma_wait3A_313 : memref<1x50x64xf32, #tpu.memory_space<hbm>> -> memref<50x64xf32, #tpu.memory_space<hbm>>
        %dma_wait3A_315 = arith.constant 0 : i32
        %dma_wait3A_316 = arith.constant 0 : i32
        %dma_wait3A_317 = tpu.memref_slice %arg6[%run_scoped3A_255, %dma_wait3A_315, %dma_wait3A_316] : memref<8x50x64xf32, #tpu.memory_space<vmem>> -> memref<1x50x64xf32, #tpu.memory_space<vmem>>
        %dma_wait3A_318 = tpu.memref_squeeze %dma_wait3A_317 : memref<1x50x64xf32, #tpu.memory_space<vmem>> -> memref<50x64xf32, #tpu.memory_space<vmem>>
        tpu.wait_dma2 semaphore(%run_scoped3A_286 : memref<!tpu.dma_semaphore, #tpu.memory_space<semaphore_mem>>) src(%dma_wait3A_318 : memref<50x64xf32, #tpu.memory_space<vmem>>) dst(%dma_wait3A_314 : memref<50x64xf32, #tpu.memory_space<hbm>>)
        tpu.yield
      }) : () -> ()
      %add3A_256 = arith.constant 8 : i32
      %add3A_257 = arith.addi %add3A_241, %add3A_256 : i32
      %lt3A_258 = arith.constant 512 : i32
      %lt3A_259 = arith.cmpi slt, %add3A_257, %lt3A_258 : i32
      %convert_element_type3A_260 = arith.extui %lt3A_259 : i1 to i32
      %cond3A_261 = arith.constant 0 : i32
      %cond3A_262 = arith.cmpi ne, %convert_element_type3A_260, %cond3A_261 : i32
      scf.if %cond3A_262 {
        %add3A_286 = arith.constant 8 : i32
        %add3A_287 = arith.addi %add3A_241, %add3A_286 : i32
        %dma_start3A_288 = arith.constant 6 : i32
        %dma_start3A_289 = arith.constant 0 : i32
        %dma_start3A_290 = arith.constant 0 : i32
        %dma_start3A_291 = tpu.memref_slice %arg6[%dma_start3A_288, %dma_start3A_289, %dma_start3A_290] : memref<8x50x64xf32, #tpu.memory_space<vmem>> -> memref<1x50x64xf32, #tpu.memory_space<vmem>>
        %dma_start3A_292 = tpu.memref_squeeze %dma_start3A_291 : memref<1x50x64xf32, #tpu.memory_space<vmem>> -> memref<50x64xf32, #tpu.memory_space<vmem>>
        %dma_start3A_293 = arith.constant 0 : i32
        %dma_start3A_294 = tpu.memref_slice %arg5[%add3A_287, %dma_start3A_293] : memref<512x50xi32, #tpu.memory_space<vmem>> -> memref<1x50xi32, #tpu.memory_space<vmem>>
        %dma_start3A_295 = tpu.memref_squeeze %dma_start3A_294 : memref<1x50xi32, #tpu.memory_space<vmem>> -> memref<50xi32, #tpu.memory_space<vmem>>
        %dma_start3A_296 = arith.constant 0 : i32
        %dma_start3A_297 = arith.constant 0 : i32
        %dma_start3A_298 = tpu.memref_slice %arg3[%dma_start3A_296, %dma_start3A_297] : memref<1000000x64xf32, #tpu.memory_space<hbm>> -> memref<1000000x64xf32, #tpu.memory_space<hbm>>
        tpu.enqueue_indirect_dma source(%dma_start3A_298 : memref<1000000x64xf32, #tpu.memory_space<hbm>>) target(%dma_start3A_292 : memref<50x64xf32, #tpu.memory_space<vmem>>) offsets(%dma_start3A_295 : memref<50xi32, #tpu.memory_space<vmem>>) semaphore(%arg13 : memref<!tpu.dma_semaphore, #tpu.memory_space<semaphore_mem>>)
      } else {
      }
      %add3A_263 = arith.constant 7 : i32
      %add3A_264 = arith.addi %add3A_106, %add3A_263 : i32
      %dma_wait3A_265 = arith.constant 0 : i32
      %dma_wait3A_266 = arith.constant 7 : i32
      %dma_wait3A_267 = arith.constant 0 : i32
      %dma_wait3A_268 = arith.constant 0 : i32
      %dma_wait3A_269 = tpu.memref_slice %arg6[%dma_wait3A_266, %dma_wait3A_267, %dma_wait3A_268] : memref<8x50x64xf32, #tpu.memory_space<vmem>> -> memref<1x50x64xf32, #tpu.memory_space<vmem>>
      %dma_wait3A_270 = tpu.memref_squeeze %dma_wait3A_269 : memref<1x50x64xf32, #tpu.memory_space<vmem>> -> memref<50x64xf32, #tpu.memory_space<vmem>>
      %dma_wait3A_271 = arith.constant 0 : i32
      %dma_wait3A_272 = tpu.memref_slice %arg5[%dma_wait3A_265, %dma_wait3A_271] : memref<512x50xi32, #tpu.memory_space<vmem>> -> memref<1x50xi32, #tpu.memory_space<vmem>>
      %dma_wait3A_273 = tpu.memref_squeeze %dma_wait3A_272 : memref<1x50xi32, #tpu.memory_space<vmem>> -> memref<50xi32, #tpu.memory_space<vmem>>
      %dma_wait3A_274 = arith.constant 0 : i32
      %dma_wait3A_275 = arith.constant 0 : i32
      %dma_wait3A_276 = tpu.memref_slice %arg3[%dma_wait3A_274, %dma_wait3A_275] : memref<1000000x64xf32, #tpu.memory_space<hbm>> -> memref<1000000x64xf32, #tpu.memory_space<hbm>>
      tpu.wait_indirect_dma semaphore(%arg14 : memref<!tpu.dma_semaphore, #tpu.memory_space<semaphore_mem>>) src(%dma_wait3A_276 : memref<1000000x64xf32, #tpu.memory_space<hbm>>) dst(%dma_wait3A_270 : memref<50x64xf32, #tpu.memory_space<vmem>>)
      %add3A_277 = arith.addi %mul3A_2, %add3A_264 : i32
      %run_scoped3A_278 = arith.constant 7 : i32
      "tpu.region"() ({
        %run_scoped3A_286 = tpu.sem_alloc : memref<!tpu.dma_semaphore, #tpu.memory_space<semaphore_mem>>
        %dma_start3A_287 = arith.constant 0 : i32
        %dma_start3A_288 = arith.constant 0 : i32
        %dma_start3A_289 = tpu.memref_slice %arg6[%run_scoped3A_278, %dma_start3A_287, %dma_start3A_288] : memref<8x50x64xf32, #tpu.memory_space<vmem>> -> memref<1x50x64xf32, #tpu.memory_space<vmem>>
        %dma_start3A_290 = tpu.memref_squeeze %dma_start3A_289 : memref<1x50x64xf32, #tpu.memory_space<vmem>> -> memref<50x64xf32, #tpu.memory_space<vmem>>
        %dma_start3A_291 = arith.constant 0 : i32
        %dma_start3A_292 = arith.constant 0 : i32
        %dma_start3A_293 = tpu.memref_slice %arg4[%add3A_277, %dma_start3A_291, %dma_start3A_292] : memref<16384x50x64xf32, #tpu.memory_space<hbm>> -> memref<1x50x64xf32, #tpu.memory_space<hbm>>
        %dma_start3A_294 = tpu.memref_squeeze %dma_start3A_293 : memref<1x50x64xf32, #tpu.memory_space<hbm>> -> memref<50x64xf32, #tpu.memory_space<hbm>>
        %dma_start3A_295 = arith.constant 0 : i32
        %dma_start3A_296 = arith.constant 0 : i32
        %dma_start3A_297 = tpu.memref_slice %arg4[%add3A_277, %dma_start3A_295, %dma_start3A_296] : memref<16384x50x64xf32, #tpu.memory_space<hbm>> -> memref<1x50x64xf32, #tpu.memory_space<hbm>>
        %dma_start3A_298 = tpu.memref_squeeze %dma_start3A_297 : memref<1x50x64xf32, #tpu.memory_space<hbm>> -> memref<50x64xf32, #tpu.memory_space<hbm>>
        %dma_start3A_299 = arith.constant 0 : i32
        %dma_start3A_300 = arith.constant 0 : i32
        %dma_start3A_301 = tpu.memref_slice %arg6[%run_scoped3A_278, %dma_start3A_299, %dma_start3A_300] : memref<8x50x64xf32, #tpu.memory_space<vmem>> -> memref<1x50x64xf32, #tpu.memory_space<vmem>>
        %dma_start3A_302 = tpu.memref_squeeze %dma_start3A_301 : memref<1x50x64xf32, #tpu.memory_space<vmem>> -> memref<50x64xf32, #tpu.memory_space<vmem>>
        tpu.enqueue_dma source(%dma_start3A_302 : memref<50x64xf32, #tpu.memory_space<vmem>>) target(%dma_start3A_298 : memref<50x64xf32, #tpu.memory_space<hbm>>) target_semaphore(%run_scoped3A_286 : memref<!tpu.dma_semaphore, #tpu.memory_space<semaphore_mem>>)
        %dma_wait3A_303 = arith.constant 0 : i32
        %dma_wait3A_304 = arith.constant 0 : i32
        %dma_wait3A_305 = tpu.memref_slice %arg6[%run_scoped3A_278, %dma_wait3A_303, %dma_wait3A_304] : memref<8x50x64xf32, #tpu.memory_space<vmem>> -> memref<1x50x64xf32, #tpu.memory_space<vmem>>
        %dma_wait3A_306 = tpu.memref_squeeze %dma_wait3A_305 : memref<1x50x64xf32, #tpu.memory_space<vmem>> -> memref<50x64xf32, #tpu.memory_space<vmem>>
        %dma_wait3A_307 = arith.constant 0 : i32
        %dma_wait3A_308 = arith.constant 0 : i32
        %dma_wait3A_309 = tpu.memref_slice %arg4[%add3A_277, %dma_wait3A_307, %dma_wait3A_308] : memref<16384x50x64xf32, #tpu.memory_space<hbm>> -> memref<1x50x64xf32, #tpu.memory_space<hbm>>
        %dma_wait3A_310 = tpu.memref_squeeze %dma_wait3A_309 : memref<1x50x64xf32, #tpu.memory_space<hbm>> -> memref<50x64xf32, #tpu.memory_space<hbm>>
        %dma_wait3A_311 = arith.constant 0 : i32
        %dma_wait3A_312 = arith.constant 0 : i32
        %dma_wait3A_313 = tpu.memref_slice %arg4[%add3A_277, %dma_wait3A_311, %dma_wait3A_312] : memref<16384x50x64xf32, #tpu.memory_space<hbm>> -> memref<1x50x64xf32, #tpu.memory_space<hbm>>
        %dma_wait3A_314 = tpu.memref_squeeze %dma_wait3A_313 : memref<1x50x64xf32, #tpu.memory_space<hbm>> -> memref<50x64xf32, #tpu.memory_space<hbm>>
        %dma_wait3A_315 = arith.constant 0 : i32
        %dma_wait3A_316 = arith.constant 0 : i32
        %dma_wait3A_317 = tpu.memref_slice %arg6[%run_scoped3A_278, %dma_wait3A_315, %dma_wait3A_316] : memref<8x50x64xf32, #tpu.memory_space<vmem>> -> memref<1x50x64xf32, #tpu.memory_space<vmem>>
        %dma_wait3A_318 = tpu.memref_squeeze %dma_wait3A_317 : memref<1x50x64xf32, #tpu.memory_space<vmem>> -> memref<50x64xf32, #tpu.memory_space<vmem>>
        tpu.wait_dma2 semaphore(%run_scoped3A_286 : memref<!tpu.dma_semaphore, #tpu.memory_space<semaphore_mem>>) src(%dma_wait3A_318 : memref<50x64xf32, #tpu.memory_space<vmem>>) dst(%dma_wait3A_314 : memref<50x64xf32, #tpu.memory_space<hbm>>)
        tpu.yield
      }) : () -> ()
      %add3A_279 = arith.constant 8 : i32
      %add3A_280 = arith.addi %add3A_264, %add3A_279 : i32
      %lt3A_281 = arith.constant 512 : i32
      %lt3A_282 = arith.cmpi slt, %add3A_280, %lt3A_281 : i32
      %convert_element_type3A_283 = arith.extui %lt3A_282 : i1 to i32
      %cond3A_284 = arith.constant 0 : i32
      %cond3A_285 = arith.cmpi ne, %convert_element_type3A_283, %cond3A_284 : i32
      scf.if %cond3A_285 {
        %add3A_286 = arith.constant 8 : i32
        %add3A_287 = arith.addi %add3A_264, %add3A_286 : i32
        %dma_start3A_288 = arith.constant 7 : i32
        %dma_start3A_289 = arith.constant 0 : i32
        %dma_start3A_290 = arith.constant 0 : i32
        %dma_start3A_291 = tpu.memref_slice %arg6[%dma_start3A_288, %dma_start3A_289, %dma_start3A_290] : memref<8x50x64xf32, #tpu.memory_space<vmem>> -> memref<1x50x64xf32, #tpu.memory_space<vmem>>
        %dma_start3A_292 = tpu.memref_squeeze %dma_start3A_291 : memref<1x50x64xf32, #tpu.memory_space<vmem>> -> memref<50x64xf32, #tpu.memory_space<vmem>>
        %dma_start3A_293 = arith.constant 0 : i32
        %dma_start3A_294 = tpu.memref_slice %arg5[%add3A_287, %dma_start3A_293] : memref<512x50xi32, #tpu.memory_space<vmem>> -> memref<1x50xi32, #tpu.memory_space<vmem>>
        %dma_start3A_295 = tpu.memref_squeeze %dma_start3A_294 : memref<1x50xi32, #tpu.memory_space<vmem>> -> memref<50xi32, #tpu.memory_space<vmem>>
        %dma_start3A_296 = arith.constant 0 : i32
        %dma_start3A_297 = arith.constant 0 : i32
        %dma_start3A_298 = tpu.memref_slice %arg3[%dma_start3A_296, %dma_start3A_297] : memref<1000000x64xf32, #tpu.memory_space<hbm>> -> memref<1000000x64xf32, #tpu.memory_space<hbm>>
        tpu.enqueue_indirect_dma source(%dma_start3A_298 : memref<1000000x64xf32, #tpu.memory_space<hbm>>) target(%dma_start3A_292 : memref<50x64xf32, #tpu.memory_space<vmem>>) offsets(%dma_start3A_295 : memref<50xi32, #tpu.memory_space<vmem>>) semaphore(%arg14 : memref<!tpu.dma_semaphore, #tpu.memory_space<semaphore_mem>>)
      } else {
      }
    }
    %scan3A_101 = arith.constant 64 : i32
    return
  }
}

</mosaic_0001>

<sc_bundles>
// kernel: _gather.3.cloned.1.call-start
scs
__scs_entry_jumppad:
0x0: {  	(pc) =	sbr.rel $0x88, $3  }
0x1: {  	(tag) =	ssettag $0x0;
	lr =	simm.s32 $0x1  }
0x2: {  	[smem:$0x3F9F] =	sst lr;
	_ =	strace $0xD0000000  }
0x3: {  	_ = 	snop  }
0x4: {  	_ = 	snop  }
0x5: {  	_ = 	snop  }
0x6: {  	_ = 	snop  }
0x7: {  	_ = 	snop  }
__scs_overlays_trampoline_lowered:
0x8: {  	[smem:$0x3FAE] =	sst s0  }
0x9: {  	[smem:$0x3FAF] =	sst s1  }
0xa: {  	[smem:$0x3FB0] =	sst s2  }
0xb: {  	[smem:$0x3FB1] =	sst s3  }
0xc: {  	[smem:$0x3FB2] =	sst s4  }
0xd: {  	[smem:$0x3FB3] =	sst s5  }
0xe: {  	[smem:$0x3FB4] =	sst s6  }
0xf: {  	[smem:$0x3FB5] =	sst s7  }
0x10: {  	[smem:$0x3FB6] =	sst s8  }
0x11: {  	[smem:$0x3FB7] =	sst s9;
	s0 =	simm.s32 @!p0 $0x0  }
0x12: {  	s1 =	sld [smem:$0x3F9D];
	s0 =	simm.s32 @p0 $0x1  }
0x13: {  	[smem:$0x3FB8] =	sst s0;
	s0 =	simm.s32 @!p1 $0x0  }
0x14: {  	s2 =	sld [smem:$0x3F9C];
	s0 =	simm.s32 @p1 $0x1  }
0x15: {  	[smem:$0x3FB9] =	sst s0;
	s0 =	simm.s32 @!p2 $0x0  }
0x16: {  	s3 =	sld [smem:$0x3FDB];
	s0 =	simm.s32 @p2 $0x1  }
0x17: {  	s4 =	simm.s32 $0x1BF5;
	[smem:$0x3FBB] =	sst s0  }
0x18: {  	s0 =	sld [smem:$0x3F9E];
	_ =	swait.ge [sflag:s4], $0x0  }
0x19: {  	s7 =	sld [smem:$0x3F9F]  }
0x1a: {  	s8 =	sadd.s32 $0xFFFFE003, lr  }
0x1b: {  	s9 =	sadd.s32 $0xFFFFFEF7, lr;
	s5 =	simm.s32 $0xFFFFFFFF;
	p2 =	slt.u32 s8, $0xFFFFF086  }
0x1c: {  	p1 =	slt.u32 s9, $0xF7A;
	s5 =	simm.s32 @!p2 $0x0  }
0x1d: {  	s5 =	simm.s32 @p1 $0x1;
	p0 =	seq.s32 s7, s2  }
0x1e: {  	s7 =	smul.u32 @!p0 $0xF7A, s2;
	p2 =	seq.s32 @!p0 s5, $0x0  }
0x1f: {  	s9 =	smul.u32 $0xF7A, s1;
	s8 =	simm.s32 @!p0 $0x1BF5;
	p2 =	por !p2, p0  }
0x20: {  	[sflag:s8] =	ssyncset.s32 @!p0 $0xFFFFF086;
	s6 =	sadd.s32 @!p0 s3, s7;
	s7 =	simm.s32 @!p0 $0x108  }
0x21: {  	s3 =	sadd.s32 s3, s9;
	s6 =	sadd.s32 @!p0 $0x88, s6;
	s7 =	simm.s32 @p2 $0x1082  }
0x22: {  	[simem:s7], [sflag:s8] =	dma.local @!p0 [hbm:s6], $0xF7A  }
0x23: {  	s9 =	sor.u32 $0xD0000000, s2;
	s6 =	simm.s32 $0x108;
	_ =	swait.ge @!p0 [sflag:s8], $0x0  }
0x24: {  	s3 =	sadd.s32 $0x88, s3;
	s6 =	simm.s32 @!p1 $0x1082;
	[sflag:s4] =	ssyncset.s32 $0xFFFFF086  }
0x25: {  	[simem:s6], [sflag:s4] =	dma.local [hbm:s3], $0xF7A  }
0x26: {  	[smem:$0x3F9F] =	sst s1;
	(tag) =	ssettag s2;
	_ =	strace s9  }
0x27: {  	s1 =	sld [smem:$0x3FAF]  }
0x28: {  	s2 =	sld [smem:$0x3FB0]  }
0x29: {  	s4 =	sld [smem:$0x3FB2]  }
0x2a: {  	p0 =	seq.s32 s5, $0x0;
	s5 =	sld [smem:$0x3FB3]  }
0x2b: {  	s6 =	sld [smem:$0x3FB4]  }
0x2c: {  	s7 =	sld [smem:$0x3FB5]  }
0x2d: {  	s3 =	simm.s32 $0x108;
	s8 =	sld [smem:$0x3FB6]  }
0x2e: {  	s3 =	simm.s32 @!p0 $0x1082;
	s9 =	sld [smem:$0x3FB7]  }
0x2f: {  	lr =	sadd.s32 s0, s3;
	s0 =	sld [smem:$0x3FAE]  }
0x30: {  	s3 =	sld [smem:$0x3FB1]  }
0x31: {  	[smem:$0x3FBA] =	sst s10  }
0x32: {  	s10 =	sld [smem:$0x3FB8];
	_ =	sdelay $0x3  }
0x33: {  	p0 =	seq.s32 s10, $0x1;
	s10 =	sld [smem:$0x3FBA];
	_ =	sdelay $0x3  }
0x34: {  	[smem:$0x3FBA] =	sst s10  }
0x35: {  	s10 =	sld [smem:$0x3FB9];
	_ =	sdelay $0x3  }
0x36: {  	p1 =	seq.s32 s10, $0x1;
	s10 =	sld [smem:$0x3FBA];
	_ =	sdelay $0x3  }
0x37: {  	[smem:$0x3FBA] =	sst s10  }
0x38: {  	s10 =	sld [smem:$0x3FBB]  }
0x39: {  	_ = 	snop;
	(pc) =	sbr.ind lr, $3  }
0x3a: {  	_ = 	snop  }
0x3b: {  	_ = 	snop  }
0x3c: {  	p2 =	seq.s32 s10, $0x1;
	s10 =	sld [smem:$0x3FBA]  }
0x3d: {  	_ =	shalt  }
0x3e: {  	_ =	shalt  }
0x3f: {  	_ =	shalt  }
0x40: {  	_ =	shalt  }
0x41: {  	_ =	shalt  }
0x42: {  	_ =	shalt  }
0x43: {  	_ =	shalt  }
0x44: {  	_ =	shalt  }
0x45: {  	_ =	shalt  }
0x46: {  	_ =	shalt  }
0x47: {  	_ =	shalt  }
0x48: {  	_ =	shalt  }
0x49: {  	_ =	shalt  }
0x4a: {  	_ =	shalt  }
0x4b: {  	_ =	shalt  }
0x4c: {  	_ =	shalt  }
0x4d: {  	_ =	shalt  }
0x4e: {  	_ =	shalt  }
0x4f: {  	_ =	shalt  }
0x50: {  	_ =	shalt  }
0x51: {  	_ =	shalt  }
0x52: {  	_ =	shalt  }
0x53: {  	_ =	shalt  }
0x54: {  	_ =	shalt  }
0x55: {  	_ =	shalt  }
0x56: {  	_ =	shalt  }
0x57: {  	_ =	shalt  }
0x58: {  	_ =	shalt  }
0x59: {  	_ =	shalt  }
0x5a: {  	_ =	shalt  }
0x5b: {  	_ =	shalt  }
0x5c: {  	_ =	shalt  }
0x5d: {  	_ =	shalt  }
0x5e: {  	_ =	shalt  }
0x5f: {  	_ =	shalt  }
0x60: {  	_ =	shalt  }
0x61: {  	_ =	shalt  }
0x62: {  	_ =	shalt  }
0x63: {  	_ =	shalt  }
0x64: {  	_ =	shalt  }
0x65: {  	_ =	shalt  }
0x66: {  	_ =	shalt  }
0x67: {  	_ =	shalt  }
0x68: {  	_ =	shalt  }
0x69: {  	_ =	shalt  }
0x6a: {  	_ =	shalt  }
0x6b: {  	_ =	shalt  }
0x6c: {  	_ =	shalt  }
0x6d: {  	_ =	shalt  }
0x6e: {  	_ =	shalt  }
0x6f: {  	_ =	shalt  }
0x70: {  	_ =	shalt  }
0x71: {  	_ =	shalt  }
0x72: {  	_ =	shalt  }
0x73: {  	_ =	shalt  }
0x74: {  	_ =	shalt  }
0x75: {  	_ =	shalt  }
0x76: {  	_ =	shalt  }
0x77: {  	_ =	shalt  }
0x78: {  	_ =	shalt  }
0x79: {  	_ =	shalt  }
0x7a: {  	_ =	shalt  }
0x7b: {  	_ =	shalt  }
0x7c: {  	_ =	shalt  }
0x7d: {  	_ =	shalt  }
0x7e: {  	_ =	shalt  }
0x7f: {  	_ =	shalt  }
0x80: {  	_ =	shalt  }
0x81: {  	_ =	shalt  }
0x82: {  	_ =	shalt  }
0x83: {  	_ =	shalt  }
0x84: {  	_ =	shalt  }
0x85: {  	_ =	shalt  }
0x86: {  	_ =	shalt  }
0x87: {  	_ =	shalt  }
.Lfunc_end0:
.L_simem_size_0:
called_computation.1_lowered:
.L_overlay_start_0:
0x88: {  	s2 =	sld [smem:$0x3FD9]  }
0x89: {  	s3 =	sld [smem:$0x3FFE];
	_ =	sdelay $0x1  }
0x8a: {  	s1 =	srdreg.scid  }
0x8b: {  	s0 =	sand.u32 $0x1, s1  }
0x8c: {  	s17 =	sshll.u32 s0, $0xA;
	s2 =	sadd.s32 s3, s2  }
0x8d: {  	s2 =	sadd.s32 s2, s17  }
0x8e: {  	[smem:$0x3FC6] =	sst s2  }
0x8f: {  	_ = 	snop  }
0x90: {  	s2 =	sld [smem:$0x3FD0];
	(tm) =	ssettm $0x1  }
0x91: {  	s18 =	sld [smem:$0x3FFB];
	_ =	sdelay $0x3  }
0x92: {  	_ =	strace s18  }
0x93: {  	s3 =	sld [smem:$0x3FFC];
	_ =	sdelay $0x3  }
0x94: {  	_ =	strace s3  }
0x95: {  	s3 =	sld [smem:$0x3FFD];
	_ =	sdelay $0x3  }
0x96: {  	_ =	strace s3  }
0x97: {  	_ =	strace $0x8FFFFFFF  }
0x98: {  	s19 =	sld [smem:$0x3FDB];
	_ =	sdelay $0x1  }
0x99: {  	s4 =	simm.s32 $_scs_section_size  }
0x9a: {  	s5 =	simm.s32 $_size__tile_overlayer_lowered;
	s6 =	simm.s32 $_tile_overlayer_lowered  }
0x9b: {  	s22 =	simm.s32 $0x1BFF;
	s21 =	sshll.u32 s6, $0x1;
	s3 =	sadd.s32 s4, s19  }
0x9c: {  	s7 =	simm.s32 $0x0;
	s20 =	sshll.u32 s5, $0x1;
	s5 =	sadd.s32 s21, s3  }
0x9d: {  	[timem:s7], [sflag:s22] =	dma.local [hbm:s5], s20  }
0x9e: {  	_ =	swait.ge [sflag:s22], s20  }
0x9f: {  	s4 =	ssub.s32 $0x0, s20;
	[sflag:s22] =	ssyncset.done $0x0  }
0xa0: {  	[sflag:s22] =	ssyncadd.s32 s4;
	_ =	sdelay $0x1  }
0xa1: {  	s23 =	simm.s32 $0x1B8B  }
0xa2: {  	_ =	swait.ge [sflag:s23], $0x1  }
0xa3: {  	[sflag:s23] =	ssyncset.done $0x0  }
0xa4: {  	s25 =	simm.s32 $0x1B8E;
	s24 =	sld [smem:$0x3FFE];
	[sflag:s23] =	ssyncadd.s32 $0xFFFFFFFF  }
0xa5: {  	s26 =	simm.s32 $execute0_lowered;
	[smem:$0x3FD2] =	sst s25  }
0xa6: {  	s5 =	sshll.u32 s26, $0x1;
	_ =	strace $0x80000046;
	[dreg:$0x1] =	wrdreg $0xFFFFFFFF  }
0xa7: {  	s28 =	simm.s32 $_size_execute0_lowered;
	s3 =	sadd.s32 s3, s5;
	[dreg:$0x0] =	wrdreg $0x0  }
0xa8: {  	s5 =	sshll.u32 s28, $0x1;
	[dreg:$0x2] =	wrdreg s3  }
0xa9: {  	[dreg:$0x3] =	wrdreg s5  }
0xaa: {  	[dreg:$0x4] =	wrdreg $0xC0  }
0xab: {  	_ =	task [dreg:s7], $0x5FFFF  }
0xac: {  	[dreg:$0x1] =	wrdreg $0xFFFFFFFF  }
0xad: {  	[dreg:$0x0] =	wrdreg $0x60  }
0xae: {  	[dreg:$0x2] =	wrdreg s24  }
0xaf: {  	[dreg:$0x3] =	wrdreg s2  }
0xb0: {  	[dreg:$0x4] =	wrdreg $0x9  }
0xb1: {  	_ =	task.clear_ibuf [dreg:s7], $0x5FFFF;
	_ =	strace $0x90000046  }
0xb2: {  	s29 =	simm.s32 $0x9;
	_ =	strace $0x80000048  }
0xb3: {  	_ =	swait.ge [sflag:s29], $0x1  }
0xb4: {  	[sflag:s29] =	ssyncadd.s32 $0xFFFFFFFF  }
0xb5: {  	_ =	strace $0x90000048  }
0xb6: {  	_ =	sfence  }
0xb7: {  	s30 =	sld [smem:$0x0];
	_ =	sdelay $0x2  }
0xb8: {  	s31 =	sshll.u32 s1, $0xD;
	s1 =	sshrl.u32 s1, $0x2  }
0xb9: {  	s3 =	sand.u32 $0x4000, s31;
	s1 =	sadd.s32 s1, s30  }
0xba: {  	s0 =	sor.u32 s3, s0;
	s1 =	sshll.u32 s1, $0x11  }
0xbb: {  	s0 =	sor.u32 s1, s0  }
0xbc: {  	s0 =	sadd.s32 $0x8F2B, s0  }
0xbd: {  	[sflag:s0] =	ssyncadd.remote.s32 $0x1  }
0xbe: {  	_ =	sfence.sel $0xFFFF  }
0xbf: {  	[dreg:$0x0] =	wrdreg $0xFFFFFFFF;
	(pc) =	sbr.abs _section_cstart, $3  }
0xc0: {  	[dreg:$0x1] =	wrdreg $0xFFFFFFFF  }
0xc1: {  	_ =	task.clear_ibuf [dreg:s7], $0x2FFFF;
	_ =	strace $0x9FFFFFFF  }
0xc2: {  	(tm) =	ssettm $0x7FFFFFFF  }
0xc3: {  	_ =	shalt  }
tec
execute0_lowered:
.L_overlay_start_1:
0x0: {  	(tag) =	ssettag $0x1  }
0x1: {  	s0 =	srdreg.scid;
	s1 =	rddreg [dreg:$0x0]  }
0x2: {  	s8 =	stileid.u32;
	s6 =	rddreg [dreg:$0x1];
	s2 =	simm.s32 $0x0  }
0x3: {  	s9 =	simm.s32 $0x7000;
	s11 =	simm.s32 $0x7C80;
	s13 =	simm.s32 $0x8900  }
0x4: {  	s15 =	simm.s32 $0x9580;
	s17 =	simm.s32 $0xA200;
	s19 =	simm.s32 $0xAE80  }
0x5: {  	s21 =	simm.s32 $0xBB00;
	s22 =	simm.s32 $0x188;
	s23 =	simm.s32 $0xC780  }
0x6: {  	s28 =	simm.s32 $0x4;
	s29 =	simm.s32 $0x5;
	s30 =	simm.s32 $0x6  }
0x7: {  	s31 =	simm.s32 $0x7;
	s0 =	sand.u32 $0x1, s0;
	s3 =	sshll.u32 s8, $0xA  }
0x8: {  	[smem:$0x7FF] =	sst s2;
	s8 =	smul.u32 $0x64000, s8;
	s4 =	sshll.u32 s0, $0x9  }
0x9: {  	s24 =	ssub.s32 $0x2, s0;
	s0 =	smul.u32 $0x32000, s0;
	s3 =	sor.u32 s4, s3  }
0xa: {  	_ =	strace $0x80000047;
	s7 =	sshrl.u32 s24, $0x1;
	s3 =	smul.u32 $0x7, s3  }
.Ltmp0:
0xb: {  	s26 =	sadd.s32 s8, s6;
	s8 =	simm.s32 $0x32;
	(pc) =	sbr.rel .LBB2_1-.Ltmp0, $4  }
0xc: {  	s25 =	ssub.s32 s24, s7;
	s10 =	sadd.s32 s0, s26;
	s7 =	simm.s32 $0x9  }
0xd: {  	s24 =	simm.s32 $0x1;
	s26 =	simm.s32 $0x3;
	s0 =	simm.s32 $0x0  }
0xe: {  	s5 =	sadd.s32 s3, s1;
	s3 =	sadd.s32 $0xF42E00, s1;
	s1 =	simm.s32 $0x8  }
0xf: {  	s4 =	sadd.s32 $0xA00, s5;
	s5 =	smax.u32 s25, $0x1;
	s25 =	simm.s32 $0x2  }
.LBB2_4:
0x10: {  	s0 =	sadd.s32 $0x1, s0  }
0x11: {  	p0 =	sne.s32 s0, s5  }
.Ltmp1:
0x12: {  	_ = 	snop;
	(pc) =	sbr.rel @!p0 .LBB2_5-.Ltmp1, $1  }
0x13: {  	_ =	sdelay $0x3  }
.LBB2_1:
0x14: {  	[tilespmem:s2], [sflag:$0x9] =	stream.linear.gather [hbm4b:s4+s2], $0x7000, $0x38;
	[tilespmem:$0xD400] =	vst v63  }
0x15: {  	_ =	swait.ge [sflag:s7], $0x7000  }
0x16: {  	[sflag:s7] =	ssyncset.done $0x0  }
0x17: {  	[sflag:s7] =	ssyncadd.s32 $0xFFFF9000  }
0x18: {  	[tilespmem:s9], [sflag:$0x1] =	stream.indirect.gather [hbm4b:s3+s8], $0x40, s2, s8, $0xb8;
	[tilespmem:$0xD400] =	vst v63  }
0x19: {  	s6 =	simm.s32 $0x38  }
0x1a: {  	[tilespmem:s11], [sflag:$0x2] =	stream.indirect.gather [hbm4b:s3+s8], $0x40, s6, s8, $0xb8;
	[tilespmem:$0xD400] =	vst v63  }
0x1b: {  	s12 =	simm.s32 $0x70  }
0x1c: {  	[tilespmem:s13], [sflag:$0x3] =	stream.indirect.gather [hbm4b:s3+s8], $0x40, s12, s8, $0xb8;
	[tilespmem:$0xD400] =	vst v63  }
0x1d: {  	s14 =	simm.s32 $0xA8  }
0x1e: {  	[tilespmem:s15], [sflag:$0x4] =	stream.indirect.gather [hbm4b:s3+s8], $0x40, s14, s8, $0xb8;
	[tilespmem:$0xD400] =	vst v63  }
0x1f: {  	s16 =	simm.s32 $0xE0  }
0x20: {  	[tilespmem:s17], [sflag:$0x5] =	stream.indirect.gather [hbm4b:s3+s8], $0x40, s16, s8, $0xb8;
	[tilespmem:$0xD400] =	vst v63  }
0x21: {  	s18 =	simm.s32 $0x118  }
0x22: {  	[tilespmem:s19], [sflag:$0x6] =	stream.indirect.gather [hbm4b:s3+s8], $0x40, s18, s8, $0xb8;
	[tilespmem:$0xD400] =	vst v63  }
0x23: {  	s20 =	simm.s32 $0x150  }
0x24: {  	[tilespmem:s21], [sflag:$0x7] =	stream.indirect.gather [hbm4b:s3+s8], $0x40, s20, s8, $0xb8;
	[tilespmem:$0xD400] =	vst v63  }
0x25: {  	s6 =	smov.u32 s10;
	s12 =	simm.s32 $0x0  }
0x26: {  	[tilespmem:s23], [sflag:$0x8] =	stream.indirect.gather [hbm4b:s3+s8], $0x40, s22, s8, $0xb8;
	[tilespmem:$0xD400] =	vst v63  }
.LBB2_2:
0x27: {  	_ =	swait.ge [sflag:s24], $0xC80  }
0x28: {  	[sflag:s24] =	ssyncset.done $0x0  }
0x29: {  	[sflag:s24] =	ssyncadd.s32 $0xFFFFF380  }
0x2a: {  	[hbm4b:s6+s2] =	stream.linear.scatter [tilespmem:s9], [sflag:$0x9], $0xC80, $0x38;
	[tilespmem:$0xD400] =	vst v63  }
0x2b: {  	p0 =	seq.s32 s12, $0x1B900;
	_ =	swait.ge [sflag:s7], $0xC80  }
0x2c: {  	s14 =	sshra.s32 @!p0 s12, $0x2;
	s16 =	simm.s32 @!p0 $0x32;
	[sflag:s7] =	ssyncset.done $0x0  }
0x2d: {  	s20 =	simm.s32 @!p0 $0x7000;
	s18 =	sadd.s32 @!p0 $0x1C0, s14;
	[sflag:s7] =	ssyncadd.s32 $0xFFFFF380  }
0x2e: {  	[tilespmem:s20], [sflag:$0x1] =	stream.indirect.gather @!p0 [hbm4b:s3+s16], $0x40, s18, s16, $0xb8;
	[tilespmem:$0xD400] =	vst v63  }
0x2f: {  	_ =	swait.ge [sflag:s25], $0xC80  }
0x30: {  	[sflag:s25] =	ssyncset.done $0x0  }
0x31: {  	s20 =	sadd.s32 $0x190, s6;
	[sflag:s25] =	ssyncadd.s32 $0xFFFFF380  }
0x32: {  	[hbm4b:s20+s2] =	stream.linear.scatter [tilespmem:s11], [sflag:$0x9], $0xC80, $0x38;
	[tilespmem:$0xD400] =	vst v63  }
0x33: {  	_ =	swait.ge [sflag:s7], $0xC80  }
0x34: {  	[sflag:s7] =	ssyncset.done $0x0  }
0x35: {  	s18 =	sadd.s32 @!p0 $0x1F8, s14;
	s20 =	simm.s32 @!p0 $0x7C80;
	[sflag:s7] =	ssyncadd.s32 $0xFFFFF380  }
0x36: {  	[tilespmem:s20], [sflag:$0x2] =	stream.indirect.gather @!p0 [hbm4b:s3+s16], $0x40, s18, s16, $0xb8;
	[tilespmem:$0xD400] =	vst v63  }
0x37: {  	_ =	swait.ge [sflag:s26], $0xC80  }
0x38: {  	[sflag:s26] =	ssyncset.done $0x0  }
0x39: {  	s20 =	sadd.s32 $0x320, s6;
	[sflag:s26] =	ssyncadd.s32 $0xFFFFF380  }
0x3a: {  	[hbm4b:s20+s2] =	stream.linear.scatter [tilespmem:s13], [sflag:$0x9], $0xC80, $0x38;
	[tilespmem:$0xD400] =	vst v63  }
0x3b: {  	_ =	swait.ge [sflag:s7], $0xC80  }
0x3c: {  	[sflag:s7] =	ssyncset.done $0x0  }
0x3d: {  	s18 =	sadd.s32 @!p0 $0x230, s14;
	s20 =	simm.s32 @!p0 $0x8900;
	[sflag:s7] =	ssyncadd.s32 $0xFFFFF380  }
0x3e: {  	[tilespmem:s20], [sflag:$0x3] =	stream.indirect.gather @!p0 [hbm4b:s3+s16], $0x40, s18, s16, $0xb8;
	[tilespmem:$0xD400] =	vst v63  }
0x3f: {  	_ =	swait.ge [sflag:s28], $0xC80  }
0x40: {  	[sflag:s28] =	ssyncset.done $0x0  }
0x41: {  	s20 =	sadd.s32 $0x4B0, s6;
	[sflag:s28] =	ssyncadd.s32 $0xFFFFF380  }
0x42: {  	[hbm4b:s20+s2] =	stream.linear.scatter [tilespmem:s15], [sflag:$0x9], $0xC80, $0x38;
	[tilespmem:$0xD400] =	vst v63  }
0x43: {  	_ =	swait.ge [sflag:s7], $0xC80  }
0x44: {  	[sflag:s7] =	ssyncset.done $0x0  }
0x45: {  	s18 =	sadd.s32 @!p0 $0x268, s14;
	s20 =	simm.s32 @!p0 $0x9580;
	[sflag:s7] =	ssyncadd.s32 $0xFFFFF380  }
0x46: {  	[tilespmem:s20], [sflag:$0x4] =	stream.indirect.gather @!p0 [hbm4b:s3+s16], $0x40, s18, s16, $0xb8;
	[tilespmem:$0xD400] =	vst v63  }
0x47: {  	_ =	swait.ge [sflag:s29], $0xC80  }
0x48: {  	[sflag:s29] =	ssyncset.done $0x0  }
0x49: {  	s20 =	sadd.s32 $0x640, s6;
	[sflag:s29] =	ssyncadd.s32 $0xFFFFF380  }
0x4a: {  	[hbm4b:s20+s2] =	stream.linear.scatter [tilespmem:s17], [sflag:$0x9], $0xC80, $0x38;
	[tilespmem:$0xD400] =	vst v63  }
0x4b: {  	_ =	swait.ge [sflag:s7], $0xC80  }
0x4c: {  	[sflag:s7] =	ssyncset.done $0x0  }
0x4d: {  	s18 =	sadd.s32 @!p0 $0x2A0, s14;
	s20 =	simm.s32 @!p0 $0xA200;
	[sflag:s7] =	ssyncadd.s32 $0xFFFFF380  }
0x4e: {  	[tilespmem:s20], [sflag:$0x5] =	stream.indirect.gather @!p0 [hbm4b:s3+s16], $0x40, s18, s16, $0xb8;
	[tilespmem:$0xD400] =	vst v63  }
0x4f: {  	_ =	swait.ge [sflag:s30], $0xC80  }
0x50: {  	[sflag:s30] =	ssyncset.done $0x0  }
0x51: {  	s20 =	sadd.s32 $0x7D0, s6;
	[sflag:s30] =	ssyncadd.s32 $0xFFFFF380  }
0x52: {  	[hbm4b:s20+s2] =	stream.linear.scatter [tilespmem:s19], [sflag:$0x9], $0xC80, $0x38;
	[tilespmem:$0xD400] =	vst v63  }
0x53: {  	_ =	swait.ge [sflag:s7], $0xC80  }
0x54: {  	[sflag:s7] =	ssyncset.done $0x0  }
0x55: {  	s18 =	sadd.s32 @!p0 $0x2D8, s14;
	s20 =	simm.s32 @!p0 $0xAE80;
	[sflag:s7] =	ssyncadd.s32 $0xFFFFF380  }
0x56: {  	[tilespmem:s20], [sflag:$0x6] =	stream.indirect.gather @!p0 [hbm4b:s3+s16], $0x40, s18, s16, $0xb8;
	[tilespmem:$0xD400] =	vst v63  }
0x57: {  	_ =	swait.ge [sflag:s31], $0xC80  }
0x58: {  	[sflag:s31] =	ssyncset.done $0x0  }
0x59: {  	s20 =	sadd.s32 $0x960, s6;
	[sflag:s31] =	ssyncadd.s32 $0xFFFFF380  }
0x5a: {  	[hbm4b:s20+s2] =	stream.linear.scatter [tilespmem:s21], [sflag:$0x9], $0xC80, $0x38;
	[tilespmem:$0xD400] =	vst v63  }
0x5b: {  	_ =	swait.ge [sflag:s7], $0xC80  }
0x5c: {  	[sflag:s7] =	ssyncset.done $0x0  }
0x5d: {  	s14 =	sadd.s32 @!p0 $0x310, s14;
	s18 =	simm.s32 @!p0 $0xBB00;
	[sflag:s7] =	ssyncadd.s32 $0xFFFFF380  }
0x5e: {  	[tilespmem:s18], [sflag:$0x7] =	stream.indirect.gather @!p0 [hbm4b:s3+s16], $0x40, s14, s16, $0xb8;
	[tilespmem:$0xD400] =	vst v63  }
0x5f: {  	_ =	swait.ge [sflag:s1], $0xC80  }
0x60: {  	[sflag:s1] =	ssyncset.done $0x0  }
.Ltmp2:
0x61: {  	s20 =	sadd.s32 $0xAF0, s6;
	[sflag:s1] =	ssyncadd.s32 $0xFFFFF380;
	(pc) =	sbr.rel @p0 .LBB2_4-.Ltmp2, $4  }
0x62: {  	[hbm4b:s20+s2] =	stream.linear.scatter [tilespmem:s23], [sflag:$0x9], $0xC80, $0x38;
	[tilespmem:$0xD400] =	vst v63  }
0x63: {  	_ =	swait.ge [sflag:s7], $0xC80  }
0x64: {  	[sflag:s7] =	ssyncset.done $0x0  }
0x65: {  	[sflag:s7] =	ssyncadd.s32 $0xFFFFF380  }
.Ltmp3:
0x66: {  	(pc) =	sbr.rel .LBB2_2-.Ltmp3, $4  }
0x67: {  	_ = 	snop  }
0x68: {  	s14 =	sshra.s32 s12, $0x2  }
0x69: {  	s12 =	sadd.s32 $0x700, s12;
	s6 =	sadd.s32 $0xC80, s6;
	s14 =	sadd.s32 $0x348, s14  }
0x6a: {  	[tilespmem:s23], [sflag:$0x8] =	stream.indirect.gather [hbm4b:s3+s8], $0x40, s14, s8, $0xb8;
	[tilespmem:$0xD400] =	vst v63  }
.LBB2_5:
0x6b: {  	_ =	sfence.sel $0x180000  }
0x6c: {  	[bflag:$0x0] =	sbarrier.arrive $0xFFFF  }
0x6d: {  	_ =	strace $0x90000047  }
0x6e: {  	s0 =	stileid.u32;
	[bflag:$0x2] =	sbarrier.arrive $0xFFFF  }
0x6f: {  	p0 =	sne.s32 s0, $0x0;
	s0 =	rddreg [dreg:$0x2]  }
0x70: {  	s0 =	sadd.s32 @!p0 $0x100000, s0  }
0x71: {  	[sflag:s0] =	ssyncadd.tile.s32 @!p0 $0x1;
	_ =	shalt  }
.Lfunc_end2:
_tile_overlayer_lowered:
.L_overlay_start_2:
0x72: {  	(tag) =	ssettag $0x2  }
0x73: {  	s0 =	rddreg [dreg:$0x0];
	s2 =	stileid.u32  }
0x74: {  	s1 =	rddreg [dreg:$0x1];
	p0 =	sne.s32 s2, $0x0  }
0x75: {  	s3 =	rddreg [dreg:$0x2];
	[bflag:$0x3] =	sbarrier.arrive $0xFFFF;
	s2 =	simm.s32 @!p0 $0x1C09  }
0x76: {  	[timem:s3], [sflag:s2] =	dma.local @!p0 [hbm:s0], s1  }
0x77: {  	s0 =	simm.s32 @!p0 $0x9  }
0x78: {  	_ =	swait.ge @!p0 [sflag:s0], s1  }
0x79: {  	s1 =	ssub.s32 @!p0 $0x0, s1;
	[sflag:s0] =	ssyncset.done @!p0 $0x0  }
0x7a: {  	[sflag:s0] =	ssyncadd.s32 @!p0 s1  }
0x7b: {  	[bflag:$0x3] =	sbarrier.arrive $0xFFFF  }
0x7c: {  	_ =	shalt  }

// kernel: sparse-core-data-format-call.cloned.1.call-start
scs
called_computation_lowered:
.L_overlay_start_0:
0x0: {  	s2 =	sld [smem:$0x3FD9]  }
0x1: {  	s3 =	sld [smem:$0x3FFE];
	_ =	sdelay $0x1  }
0x2: {  	s1 =	srdreg.scid  }
0x3: {  	s0 =	sand.u32 $0x1, s1  }
0x4: {  	s18 =	sshll.u32 s0, $0xA;
	s2 =	sadd.s32 s3, s2  }
0x5: {  	s2 =	sadd.s32 s2, s18  }
0x6: {  	[smem:$0x3FC6] =	sst s2  }
0x7: {  	_ = 	snop  }
0x8: {  	s2 =	sld [smem:$0x3FD0];
	(tm) =	ssettm $0x1  }
0x9: {  	s19 =	sld [smem:$0x3FFB];
	_ =	sdelay $0x3  }
0xa: {  	_ =	strace s19  }
0xb: {  	s3 =	sld [smem:$0x3FFC];
	_ =	sdelay $0x3  }
0xc: {  	_ =	strace s3  }
0xd: {  	s3 =	sld [smem:$0x3FFD];
	_ =	sdelay $0x3  }
0xe: {  	_ =	strace s3  }
0xf: {  	_ =	strace $0x8FFFFFFF  }
0x10: {  	s20 =	sld [smem:$0x3FDB];
	_ =	sdelay $0x1  }
0x11: {  	s4 =	simm.s32 $_scs_section_size  }
0x12: {  	s5 =	simm.s32 $_size__tile_overlayer_lowered;
	s6 =	simm.s32 $_tile_overlayer_lowered  }
0x13: {  	s23 =	simm.s32 $0x1BFF;
	s22 =	sshll.u32 s6, $0x1;
	s3 =	sadd.s32 s4, s20  }
0x14: {  	s7 =	simm.s32 $0x0;
	s21 =	sshll.u32 s5, $0x1;
	s5 =	sadd.s32 s22, s3  }
0x15: {  	[timem:s7], [sflag:s23] =	dma.local [hbm:s5], s21  }
0x16: {  	_ =	swait.ge [sflag:s23], s21  }
0x17: {  	s4 =	ssub.s32 $0x0, s21;
	[sflag:s23] =	ssyncset.done $0x0  }
0x18: {  	[sflag:s23] =	ssyncadd.s32 s4;
	_ =	sdelay $0x1  }
0x19: {  	s24 =	simm.s32 $0x1B8B  }
0x1a: {  	_ =	swait.ge [sflag:s24], $0x1  }
0x1b: {  	[sflag:s24] =	ssyncset.done $0x0  }
0x1c: {  	s26 =	simm.s32 $0x1B8E;
	s25 =	sld [smem:$0x3FFE];
	[sflag:s24] =	ssyncadd.s32 $0xFFFFFFFF  }
0x1d: {  	s27 =	simm.s32 $execute0_lowered;
	[smem:$0x3FD2] =	sst s26  }
0x1e: {  	s5 =	sshll.u32 s27, $0x1;
	_ =	strace $0x80000049;
	[dreg:$0x1] =	wrdreg $0xFFFFFFFF  }
0x1f: {  	s28 =	simm.s32 $_size_execute0_lowered;
	s3 =	sadd.s32 s3, s5;
	[dreg:$0x0] =	wrdreg $0x0  }
0x20: {  	s5 =	sshll.u32 s28, $0x1;
	[dreg:$0x2] =	wrdreg s3  }
0x21: {  	[dreg:$0x3] =	wrdreg s5  }
0x22: {  	[dreg:$0x4] =	wrdreg $0xC0  }
0x23: {  	_ =	task [dreg:s7], $0x5FFFF  }
0x24: {  	[dreg:$0x1] =	wrdreg $0xFFFFFFFF  }
0x25: {  	[dreg:$0x0] =	wrdreg $0x60  }
0x26: {  	[dreg:$0x2] =	wrdreg s25  }
0x27: {  	[dreg:$0x3] =	wrdreg s2  }
0x28: {  	[dreg:$0x4] =	wrdreg $0x9  }
0x29: {  	_ =	task.clear_ibuf [dreg:s7], $0x5FFFF;
	_ =	strace $0x90000049  }
0x2a: {  	s29 =	simm.s32 $0x9;
	_ =	strace $0x8000004B  }
0x2b: {  	_ =	swait.ge [sflag:s29], $0x1  }
0x2c: {  	[sflag:s29] =	ssyncadd.s32 $0xFFFFFFFF  }
0x2d: {  	_ =	strace $0x9000004B  }
0x2e: {  	_ =	sfence  }
0x2f: {  	s30 =	sld [smem:$0x0];
	_ =	sdelay $0x2  }
0x30: {  	s31 =	sshll.u32 s1, $0xD;
	s1 =	sshrl.u32 s1, $0x2  }
0x31: {  	s3 =	sand.u32 $0x4000, s31;
	s1 =	sadd.s32 s1, s30  }
0x32: {  	s0 =	sor.u32 s3, s0;
	s1 =	sshll.u32 s1, $0x11  }
0x33: {  	s0 =	sor.u32 s1, s0  }
0x34: {  	s0 =	sadd.s32 $0x8F2B, s0  }
0x35: {  	[sflag:s0] =	ssyncadd.remote.s32 $0x1  }
0x36: {  	_ =	sfence.sel $0xFFFF  }
0x37: {  	[dreg:$0x0] =	wrdreg $0xFFFFFFFF;
	(pc) =	sbr.abs _section_cstart, $3  }
0x38: {  	[dreg:$0x1] =	wrdreg $0xFFFFFFFF  }
0x39: {  	_ =	task.clear_ibuf [dreg:s7], $0x2FFFF;
	_ =	strace $0x9FFFFFFF  }
0x3a: {  	(tm) =	ssettm $0x7FFFFFFF  }
0x3b: {  	_ =	shalt  }
tec
execute0_lowered:
.L_overlay_start_1:
0x0: {  	(tag) =	ssettag $0x1  }
0x1: {  	s0 =	srdreg.scid  }
0x2: {  	s1 =	sshll.u32 s0, $0x4  }
0x3: {  	s0 =	stileid.u32;
	s1 =	sand.u32 $0x10, s1  }
0x4: {  	s1 =	sor.u32 s0, s1  }
0x5: {  	s6 =	rddreg [dreg:$0x0];
	s4 =	simm.s32 $0x1;
	s2 =	sshll.u32 s1, $0x7  }
0x6: {  	s7 =	simm.s32 $0x2;
	s12 =	simm.s32 $0x0;
	s1 =	ssub.s32 $0x4000, s2  }
0x7: {  	s8 =	simm.s32 $0x20000;
	s13 =	simm.s32 $0x0;
	s3 =	sand.u32 $0xF80, s1  }
0x8: {  	s9 =	simm.s32 $0x0;
	s5 =	sshrl.u32 s1, $0xC;
	p0 =	sne.s32 s3, $0x0  }
.Ltmp0:
0x9: {  	s1 =	rddreg [dreg:$0x2];
	s4 =	simm.s32 @!p0 $0x0;
	(pc) =	sbr.rel .LBB1_1-.Ltmp0, $4  }
0xa: {  	s11 =	simm.s32 $0x0;
	s3 =	rddreg [dreg:$0x1];
	s5 =	sadd.s32 s4, s5  }
0xb: {  	_ =	strace $0x8000004A;
	s4 =	simm.s32 $0x1;
	s5 =	smul.u32 $0x32, s5  }
0xc: {  	s6 =	sadd.s32 $0xA00, s6;
	s10 =	smov.u32 s2;
	[sflag:s4] =	ssyncpa.u1 $0x0  }
0xd: {  	p0 =	por $0x0, $0x0;
	[sflag:s7] =	ssyncpa.u1 $0x0;
	s7 =	sor.u32 $0x1, s5  }
.LBB1_4:
0xe: {  	s16 =	sshll.u32 s13, $0x3;
	s17 =	sand.u32 $0x78, s13  }
0xf: {  	s30 =	sand.u32 $0x1F800, s13;
	s12 =	sshll.u32 s12, $0x11;
	s16 =	sand.u32 $0x3C00, s16  }
0x10: {  	[tilespmem:s15+$0x810 ss:$0x81] =	vst.msk $0xffff, v2;
	s31 =	sand.u32 $0x7, s13;
	s16 =	sor.u32 s17, s16;
	s17 =	sadd.s32 s3, s30  }
0x11: {  	[tilespmem:s15+$0x1020 ss:$0x81] =	vst.msk $0xffff, v0;
	s13 =	sshll.u32 s31, $0x12;
	s12 =	sadd.s32 s12, s17;
	s16 =	sshrl.u32 s16, $0x3  }
0x12: {  	[tilespmem:s15+$0x0 ss:$0x81] =	vst.msk $0xffff, v1;
	s13 =	sor.u32 $0x400, s13;
	s12 =	sadd.s32 s16, s12  }
0x13: {  	[hbm4b:s12+s13] =	stream.strided.scatter [tilespmem:s14], [sflag:$0x2], $0x2000, s8, s13, $0x20;
	[tilespmem:$0x8080] =	vst v63  }
.LBB1_5:
0x14: {  	s14 =	sadd.s32 $0x1, s9  }
0x15: {  	s12 =	sadd.s32 $0x1000, s10;
	s16 =	smov.u32 s10;
	p2 =	sgt.s32 s14, $0x31  }
0x16: {  	s16 =	smov.u32 @p2 s12  }
0x17: {  	s14 =	simm.s32 @p2 $0x0;
	p2 =	sgt.s32 s16, $0x3FFF  }
0x18: {  	s16 =	smov.u32 @p2 s2;
	p2 =	sne.s32 s11, s7  }
.Ltmp1:
0x19: {  	p1 =	slt.u32 s11, $0x2;
	(pc) =	sbr.rel @!p2 .LBB1_6-.Ltmp1, $4  }
0x1a: {  	s15 =	simm.s32 @!p1 $0x2  }
0x1b: {  	s13 =	smov.u32 s10;
	p0 =	por !p0, !p0;
	_ =	swait.ge @!p1 [sflag:s15], $0x2000  }
0x1c: {  	s12 =	smov.u32 s9;
	[sflag:s15] =	ssyncset.done @!p1 $0x0;
	s9 =	smov.u32 s14  }
0x1d: {  	s11 =	sadd.s32 $0x1, s11;
	[sflag:s15] =	ssyncadd.s32 @!p1 $0xFFFFE000;
	s10 =	smov.u32 s16  }
.LBB1_1:
0x1e: {  	p1 =	sge.u32 s11, s5  }
0x1f: {  	s14 =	sand.u32 @!p1 $0x1FFFFFF, s9  }
0x20: {  	s15 =	smulhi.u32 @!p1 $0x4924925, s14;
	_ =	sdelay $0x1  }
0x21: {  	s15 =	smul.u32 @!p1 $0x38, s15  }
0x22: {  	s16 =	sxor.u32 @!p1 $0xFFFFFFFF, s11;
	s17 =	smul.u32 @!p1 $0x380, s10  }
0x23: {  	s31 =	sadd.s32 $0xFFFFFFFF, s11;
	s16 =	sshll.u32 @!p1 s16, $0xD;
	s14 =	ssub.s32 @!p1 s14, s15  }
0x24: {  	s15 =	sand.u32 @!p1 $0x2000, s16;
	s16 =	sadd.s32 @!p1 s6, s17;
	s14 =	sshll.u32 @!p1 s14, $0x4  }
0x25: {  	s17 =	simm.s32 @!p1 $0x1C00;
	s14 =	sadd.s32 @!p1 s14, s16;
	s16 =	simm.s32 @!p1 $0x40  }
0x26: {  	[tilespmem:s15], [sflag:$0x1] =	stream.strided.gather @!p1 [hbm4b:s14+s16], $0x2000, s17, s16, $0x38;
	[tilespmem:$0x8080] =	vst v63  }
0x27: {  	p1 =	sge.u32 s31, s5  }
.Ltmp2:
0x28: {  	_ = 	snop;
	(pc) =	sbr.rel @p1 .LBB1_5-.Ltmp2, $1  }
0x29: {  	_ =	sdelay $0x3  }
0x2a: {  	s14 =	simm.s32 $0x1  }
0x2b: {  	_ =	swait.ge [sflag:s4], $0x2000;
	s14 =	simm.s32 @!p0 $0x0  }
0x2c: {  	[sflag:s4] =	ssyncset.done $0x0;
	s15 =	sshll.u32 s14, $0xD  }
0x2d: {  	[sflag:s4] =	ssyncadd.s32 $0xFFFFE000;
	s18 =	sor.u32 $0x20, s15  }
0x2e: {  	s14 =	smul.u32 $0x8100, s14;
	v3 =	vld [tilespmem:s18+$0x10]  }
0x2f: {  	s30 =	sand.u32 $0x1, s11;
	v2 =	vld [tilespmem:s18+$0xFFFFFFF0]  }
0x30: {  	s15 =	smul.u32 $0x8100, s30;
	s14 =	sshrl.u32 s14, $0x2;
	v0 =	vld [tilespmem:s18+$0x0]  }
0x31: {  	v1 =	vld [tilespmem:s18+$0xFFFFFFE0];
	s16 =	sor.u32 $0x4000, s14  }
0x32: {  	s31 =	sshrl.u32 s15, $0x2;
	s15 =	sadd.s32 $0x0, s16  }
0x33: {  	s17 =	simm.s32 $0x4;
	s18 =	sadd.s32 $0x40, s18;
	s14 =	sor.u32 $0x4000, s31;
	[tilespmem:s15+$0x1830 ss:$0x81] =	vst.msk $0xffff, v3  }
.LBB1_3:
0x34: {  	v3 =	vld [tilespmem:s18+$0x10];
	p1 =	sne.s32 s17, $0x1FC;
	[tilespmem:s15+$0x810 ss:$0x81] =	vst.msk $0xffff, v2;
	s19 =	smov.u32 s17;
	s17 =	sadd.s32 $0x4, s17  }
.Ltmp3:
0x35: {  	v2 =	vld [tilespmem:s18+$0xFFFFFFF0];
	[tilespmem:s15+$0x1020 ss:$0x81] =	vst.msk $0xffff, v0;
	(pc) =	sbr.rel @p1 .LBB1_3-.Ltmp3, $4  }
0x36: {  	v0 =	vld [tilespmem:s18+$0x0];
	[tilespmem:s15+$0x0 ss:$0x81] =	vst.msk $0xffff, v1  }
0x37: {  	s15 =	sshra.s32 s19, $0x2;
	v1 =	vld [tilespmem:s18+$0xFFFFFFE0]  }
0x38: {  	s15 =	sadd.s32 s15, s16  }
0x39: {  	s18 =	sadd.s32 $0x40, s18;
	[tilespmem:s15+$0x1830 ss:$0x81] =	vst.msk $0xffff, v3  }
.Ltmp4:
0x3a: {  	_ = 	snop;
	(pc) =	sbr.rel .LBB1_4-.Ltmp4, $1  }
0x3b: {  	_ =	sdelay $0x3  }
.LBB1_6:
0x3c: {  	_ =	sfence.sel $0x180000  }
0x3d: {  	s2 =	simm.s32 $0x1;
	[bflag:$0x0] =	sbarrier.arrive $0xFFFF  }
0x3e: {  	s31 =	simm.s32 $0x2;
	[sflag:s2] =	ssyncpa.u1 $0x1  }
0x3f: {  	[sflag:s31] =	ssyncpa.u1 $0x1  }
0x40: {  	p0 =	sne.s32 s0, $0x0;
	_ =	strace $0x9000004A  }
0x41: {  	s0 =	sadd.s32 @!p0 $0x100000, s1;
	[bflag:$0x2] =	sbarrier.arrive $0xFFFF  }
0x42: {  	[sflag:s0] =	ssyncadd.tile.s32 @!p0 $0x1;
	_ =	shalt  }
.Lfunc_end1:
_tile_overlayer_lowered:
.L_overlay_start_2:
0x43: {  	(tag) =	ssettag $0x2  }
0x44: {  	s0 =	rddreg [dreg:$0x0];
	s2 =	stileid.u32  }
0x45: {  	s1 =	rddreg [dreg:$0x1];
	p0 =	sne.s32 s2, $0x0  }
0x46: {  	s3 =	rddreg [dreg:$0x2];
	[bflag:$0x3] =	sbarrier.arrive $0xFFFF;
	s2 =	simm.s32 @!p0 $0x1C01  }
0x47: {  	[timem:s3], [sflag:s2] =	dma.local @!p0 [hbm:s0], s1  }
0x48: {  	s0 =	simm.s32 @!p0 $0x1  }
0x49: {  	_ =	swait.ge @!p0 [sflag:s0], s1  }
0x4a: {  	s1 =	ssub.s32 @!p0 $0x0, s1;
	[sflag:s0] =	ssyncset.done @!p0 $0x0  }
0x4b: {  	[sflag:s0] =	ssyncadd.s32 @!p0 s1  }
0x4c: {  	[bflag:$0x3] =	sbarrier.arrive $0xFFFF  }
0x4d: {  	_ =	shalt  }

</sc_bundles>
